<compile_context>
chip_gen: v7x
topology: tpu7x:2x2x1
jax: 0.10.2.dev20260603
libtpu: 0.0.44.dev20260713+nightly
codegen_flags: <defaults>
</compile_context>

<pallas_src>
import functools

import jax
import jax.numpy as jnp
from jax import lax
from jax.experimental import pallas as pl
from jax.experimental.pallas import tpu as pltpu
from jax.experimental.pallas import tpu_sc as plsc

_NT = 20
_NCORNER = 8
_NLUT = 480
_D = 256
_DH = 128
_CH = 128


def _lut_body(tab_ref, w_ref, b_ref, lut_ref):
    lut48 = jax.lax.dot_general(
        tab_ref[:], w_ref[:], (((1,), (1,)), ((), ())),
        preferred_element_type=jnp.float32)
    j = jax.lax.broadcasted_iota(jnp.int32, (2 * _NLUT, 1), 0)
    col = jax.lax.broadcasted_iota(jnp.int32, (2 * _NLUT, 96), 1)
    k = j // 2
    half = j % 2
    corner = k < 192
    ke = k - 192
    sel_s = jnp.where(corner, k // 24, 19 + ke // 24) + 48 * half
    sel_p = jnp.where(corner, 8 + (k % 24) // 3, 31 + (ke % 24) // 2) + 48 * half
    sel_o = jnp.where(corner, 16 + k % 3, 43 + ke % 2) + 48 * half
    hot3 = ((col == sel_s) | (col == sel_p) | (col == sel_o)).astype(
        jnp.float32)
    lut96 = jnp.concatenate([lut48[:, 0:128], lut48[:, 128:256]], axis=0)
    acc = jax.lax.dot_general(
        hot3, lut96, (((1,), (0,)), ((), ())),
        preferred_element_type=jnp.float32)
    lut_ref[:] = acc + jnp.where(half == 0, b_ref[0:1, :], b_ref[1:2, :])


_NC = 2
_NS = 16


def _make_sc_gather(rows):
    nw = _NC * _NS
    per_w = rows // nw
    n_ch = per_w // _CH
    mesh = plsc.VectorSubcoreMesh(
        core_axis_name="c", subcore_axis_name="s",
        num_cores=_NC, num_subcores=_NS)

    n_groups = n_ch // 2

    @functools.partial(
        pl.kernel, mesh=mesh,
        out_type=jax.ShapeDtypeStruct((rows, _DH), jnp.float32),
        scratch_types=[
            pltpu.VMEM((per_w,), jnp.int32),
            pltpu.VMEM((_CH, _DH), jnp.float32),
            pltpu.VMEM((_CH, _DH), jnp.float32),
            pltpu.SemaphoreType.DMA,
            pltpu.SemaphoreType.DMA,
            pltpu.SemaphoreType.DMA,
            pltpu.SemaphoreType.DMA,
        ],
    )
    def sc_gather(lut_hbm, idx_hbm, out_hbm, idx_v, buf0, buf1,
                  gsem0, gsem1, ssem0, ssem1):
        wid = lax.axis_index("s") * _NC + lax.axis_index("c")
        base = wid * per_w
        pltpu.sync_copy(idx_hbm.at[pl.ds(base, per_w)], idx_v)

        bufs = (buf0, buf1)
        gsems = (gsem0, gsem1)
        ssems = (ssem0, ssem1)

        def gather_src(c):
            off = pl.multiple_of(c * _CH, _CH)
            return lut_hbm.at[idx_v.at[pl.ds(off, _CH)]]

        def out_dst(c):
            off = pl.multiple_of(c * _CH, _CH)
            return out_hbm.at[pl.ds(base + off, _CH)]

        for b in range(2):
            pltpu.async_copy(gather_src(b), bufs[b], gsems[b])

        def group(g, carry):
            for b in range(2):
                c = g * 2 + b
                pltpu.make_async_copy(gather_src(c), bufs[b], gsems[b]).wait()
                pltpu.async_copy(bufs[b], out_dst(c), ssems[b])
            for b in range(2):
                c = g * 2 + b

                @pl.when(g < n_groups - 1)
                def _():
                    pltpu.make_async_copy(bufs[b], out_dst(c),
                                          ssems[b]).wait()
                    pltpu.async_copy(gather_src(c + 2), bufs[b], gsems[b])

            return carry

        lax.fori_loop(0, n_groups, group, 0)
        for b in range(2):
            c = (n_groups - 1) * 2 + b
            pltpu.make_async_copy(bufs[b], out_dst(c), ssems[b]).wait()

    return sc_gather


def kernel(slot_ids, piece_ids, orientations, corner_slot_emb,
           corner_piece_emb, corner_orient_emb, edge_slot_emb, edge_piece_emb,
           edge_orient_emb, proj_W, proj_b):
    bsz = slot_ids.shape[0]
    tab = jnp.zeros((48, 128), jnp.float32)
    tab = tab.at[0:8, 0:42].set(corner_slot_emb)
    tab = tab.at[8:16, 42:84].set(corner_piece_emb)
    tab = tab.at[16:19, 84:128].set(corner_orient_emb)
    tab = tab.at[19:31, 0:42].set(edge_slot_emb)
    tab = tab.at[31:43, 42:84].set(edge_piece_emb)
    tab = tab.at[43:45, 84:128].set(edge_orient_emb)
    bias = proj_b.reshape(2, _DH)

    lut = pl.pallas_call(
        _lut_body,
        out_shape=jax.ShapeDtypeStruct((2 * _NLUT, _DH), jnp.float32),
    )(tab, proj_W, bias)

    tok = jnp.arange(_NT, dtype=jnp.int32)[None, :]
    idx = jnp.where(tok < _NCORNER,
                    slot_ids * 24 + piece_ids * 3 + orientations,
                    192 + slot_ids * 24 + piece_ids * 2 + orientations)
    idx2 = (2 * idx[:, :, None]
            + jnp.arange(2, dtype=jnp.int32)[None, None, :])

    rows = bsz * _NT * 2
    out = _make_sc_gather(rows)(lut, idx2.reshape(rows).astype(jnp.int32))
    return out.reshape(bsz, _NT, _D)

# --- scband reference (transcript-rebuilt; emitter-appended) ---
"""Pipeline reference for scband-embedding-layer-24807731101699 (READ-ONLY COPY).

The authoritative reference and input builder live on the scoring server;
editing this copy changes nothing except your own understanding.
"""

import jax, jax.numpy as jnp
import numpy as np

B = 16384

def setup_inputs(seed: int = 0) -> dict:
    key = jax.random.key(seed)
    ks = jax.random.split(key, 11)
    slot_ids = jax.random.randint(ks[0], (B, 20), 0, 8)
    piece_ids = jax.random.randint(ks[1], (B, 20), 0, 8)
    orientations = jax.random.randint(ks[2], (B, 20), 0, 2)
    corner_slot_emb = jax.random.normal(ks[3], (8, 42), dtype=jnp.float32) * 0.05
    corner_piece_emb = jax.random.normal(ks[4], (8, 42), dtype=jnp.float32) * 0.05
    corner_orient_emb = jax.random.normal(ks[5], (3, 44), dtype=jnp.float32) * 0.05
    edge_slot_emb = jax.random.normal(ks[6], (12, 42), dtype=jnp.float32) * 0.05
    edge_piece_emb = jax.random.normal(ks[7], (12, 42), dtype=jnp.float32) * 0.05
    edge_orient_emb = jax.random.normal(ks[8], (2, 44), dtype=jnp.float32) * 0.05
    proj_W = jax.random.normal(ks[9], (256, 128), dtype=jnp.float32) * 0.05
    proj_b = jax.random.normal(ks[10], (256,), dtype=jnp.float32) * 0.05
    return {
        'slot_ids': slot_ids,
        'piece_ids': piece_ids,
        'orientations': orientations,
        'corner_slot_emb': corner_slot_emb,
        'corner_piece_emb': corner_piece_emb,
        'corner_orient_emb': corner_orient_emb,
        'edge_slot_emb': edge_slot_emb,
        'edge_piece_emb': edge_piece_emb,
        'edge_orient_emb': edge_orient_emb,
        'proj_W': proj_W,
        'proj_b': proj_b,
    }

def reference(slot_ids, piece_ids, orientations,
              corner_slot_emb, corner_piece_emb, corner_orient_emb,
              edge_slot_emb, edge_piece_emb, edge_orient_emb,
              proj_W, proj_b):
    # deterministic slicing: first 8 tokens are corners, next 12 are edges
    c_slot = slot_ids[:, :8]
    c_piece = piece_ids[:, :8]
    c_or = orientations[:, :8]
    e_slot = slot_ids[:, 8:20]
    e_piece = piece_ids[:, 8:20]
    e_or = orientations[:, 8:20]
    corner_embedded = jnp.concatenate([
        jnp.take(corner_slot_emb, c_slot, axis=0),
        jnp.take(corner_piece_emb, c_piece, axis=0),
        jnp.take(corner_orient_emb, c_or, axis=0),
    ], axis=-1)
    edge_embedded = jnp.concatenate([
        jnp.take(edge_slot_emb, e_slot, axis=0),
        jnp.take(edge_piece_emb, e_piece, axis=0),
        jnp.take(edge_orient_emb, e_or, axis=0),
    ], axis=-1)
    embedded = jnp.concatenate([corner_embedded, edge_embedded], axis=1)  # (B, 20, 128)
    out = embedded @ proj_W.T + proj_b  # (B, 20, 256)
    return out

if __name__ == "__main__":
    import jax
    _d = setup_inputs()
    print(jax.jit(kernel)(*tuple(_d.values())))

</pallas_src>

<mosaic_0001>
#map = affine_map<(d0, d1) -> (0, 0)>
#map1 = affine_map<(d0, d1) -> (0)>
module attributes {stable_mosaic.version = 14 : i64} {
  func.func @sc_gather(%arg0: i32, %arg1: i32, %arg2: memref<960x128xf32, #tpu.memory_space<hbm>>, %arg3: memref<655360xi32, #tpu.memory_space<hbm>>, %arg4: memref<655360x128xf32, #tpu.memory_space<hbm>>, %arg5: memref<20480xi32, #tpu.memory_space<vmem>>, %arg6: memref<128x128xf32, #tpu.memory_space<vmem>>, %arg7: memref<128x128xf32, #tpu.memory_space<vmem>>, %arg8: memref<!tpu.dma_semaphore, #tpu.memory_space<semaphore_mem>>, %arg9: memref<!tpu.dma_semaphore, #tpu.memory_space<semaphore_mem>>, %arg10: memref<!tpu.dma_semaphore, #tpu.memory_space<semaphore_mem>>, %arg11: memref<!tpu.dma_semaphore, #tpu.memory_space<semaphore_mem>>) attributes {dimension_semantics = [#tpu.dimension_semantics<core_parallel>, #tpu.dimension_semantics<subcore_parallel>], iteration_bounds = array<i64: 2, 16>, scalar_prefetch = 0 : i64, scratch_operands = 7 : i64, tpu.core_type = #tpu.core_type<sc_vector_subcore>, window_params = [{transform_indices = #map}, {transform_indices = #map1}, {transform_indices = #map}]} {
    %mul3A = arith.constant 2 : i32
    %mul3A_0 = arith.muli %arg1, %mul3A : i32
    %add3A = arith.addi %mul3A_0, %arg0 : i32
    %mul3A_1 = arith.constant 20480 : i32
    %mul3A_2 = arith.muli %add3A, %mul3A_1 : i32
    "tpu.region"() ({
      %run_scoped3A = tpu.sem_alloc : memref<!tpu.dma_semaphore, #tpu.memory_space<semaphore_mem>>
      %dma_start3A_31 = tpu.memref_slice %arg3[%mul3A_2] : memref<655360xi32, #tpu.memory_space<hbm>> -> memref<20480xi32, #tpu.memory_space<hbm>>
      %dma_start3A_32 = tpu.memref_slice %arg3[%mul3A_2] : memref<655360xi32, #tpu.memory_space<hbm>> -> memref<20480xi32, #tpu.memory_space<hbm>>
      tpu.enqueue_dma source(%dma_start3A_32 : memref<20480xi32, #tpu.memory_space<hbm>>) target(%arg5 : memref<20480xi32, #tpu.memory_space<vmem>>) target_semaphore(%run_scoped3A : memref<!tpu.dma_semaphore, #tpu.memory_space<semaphore_mem>>)
      %dma_wait3A_33 = tpu.memref_slice %arg3[%mul3A_2] : memref<655360xi32, #tpu.memory_space<hbm>> -> memref<20480xi32, #tpu.memory_space<hbm>>
      %dma_wait3A_34 = tpu.memref_slice %arg3[%mul3A_2] : memref<655360xi32, #tpu.memory_space<hbm>> -> memref<20480xi32, #tpu.memory_space<hbm>>
      tpu.wait_dma2 semaphore(%run_scoped3A : memref<!tpu.dma_semaphore, #tpu.memory_space<semaphore_mem>>) src(%dma_wait3A_34 : memref<20480xi32, #tpu.memory_space<hbm>>) dst(%arg5 : memref<20480xi32, #tpu.memory_space<vmem>>)
      tpu.yield
    }) : () -> ()
    %multiple_of3A = arith.constant 0 : i32
    %multiple_of3A_3 = tpu.assume_multiple %multiple_of3A, 128 : i32
    %dma_start3A = tpu.memref_slice %arg5[%multiple_of3A_3] : memref<20480xi32, #tpu.memory_space<vmem>> -> memref<128xi32, #tpu.memory_space<vmem>>
    %dma_start3A_4 = arith.constant 0 : i32
    %dma_start3A_5 = arith.constant 0 : i32
    %dma_start3A_6 = tpu.memref_slice %arg2[%dma_start3A_4, %dma_start3A_5] : memref<960x128xf32, #tpu.memory_space<hbm>> -> memref<960x128xf32, #tpu.memory_space<hbm>>
    tpu.enqueue_indirect_dma source(%dma_start3A_6 : memref<960x128xf32, #tpu.memory_space<hbm>>) target(%arg6 : memref<128x128xf32, #tpu.memory_space<vmem>>) offsets(%dma_start3A : memref<128xi32, #tpu.memory_space<vmem>>) semaphore(%arg8 : memref<!tpu.dma_semaphore, #tpu.memory_space<semaphore_mem>>)
    %multiple_of3A_7 = arith.constant 128 : i32
    %multiple_of3A_8 = tpu.assume_multiple %multiple_of3A_7, 128 : i32
    %dma_start3A_9 = tpu.memref_slice %arg5[%multiple_of3A_8] : memref<20480xi32, #tpu.memory_space<vmem>> -> memref<128xi32, #tpu.memory_space<vmem>>
    %dma_start3A_10 = arith.constant 0 : i32
    %dma_start3A_11 = arith.constant 0 : i32
    %dma_start3A_12 = tpu.memref_slice %arg2[%dma_start3A_10, %dma_start3A_11] : memref<960x128xf32, #tpu.memory_space<hbm>> -> memref<960x128xf32, #tpu.memory_space<hbm>>
    tpu.enqueue_indirect_dma source(%dma_start3A_12 : memref<960x128xf32, #tpu.memory_space<hbm>>) target(%arg7 : memref<128x128xf32, #tpu.memory_space<vmem>>) offsets(%dma_start3A_9 : memref<128xi32, #tpu.memory_space<vmem>>) semaphore(%arg9 : memref<!tpu.dma_semaphore, #tpu.memory_space<semaphore_mem>>)
    %scan3A = arith.constant 0 : i32
    %scan3A_13 = arith.constant 0 : i32
    %scan3A_14 = arith.constant 80 : i32
    %scan3A_15 = arith.addi %scan3A_13, %scan3A_14 : i32
    %scan3A_16 = arith.constant 1 : i32
    scf.for %scan3A_31 = %scan3A_13 to %scan3A_15 step %scan3A_16  : i32 {
      %mul3A_32 = arith.constant 2 : i32
      %mul3A_33 = arith.muli %scan3A_31, %mul3A_32 : i32
      %add3A_34 = arith.constant 0 : i32
      %add3A_35 = arith.addi %mul3A_33, %add3A_34 : i32
      %mul3A_36 = arith.constant 128 : i32
      %mul3A_37 = arith.muli %add3A_35, %mul3A_36 : i32
      %multiple_of3A_38 = tpu.assume_multiple %mul3A_37, 128 : i32
      %dma_wait3A_39 = tpu.memref_slice %arg5[%multiple_of3A_38] : memref<20480xi32, #tpu.memory_space<vmem>> -> memref<128xi32, #tpu.memory_space<vmem>>
      %dma_wait3A_40 = arith.constant 0 : i32
      %dma_wait3A_41 = arith.constant 0 : i32
      %dma_wait3A_42 = tpu.memref_slice %arg2[%dma_wait3A_40, %dma_wait3A_41] : memref<960x128xf32, #tpu.memory_space<hbm>> -> memref<960x128xf32, #tpu.memory_space<hbm>>
      tpu.wait_indirect_dma semaphore(%arg8 : memref<!tpu.dma_semaphore, #tpu.memory_space<semaphore_mem>>) src(%dma_wait3A_42 : memref<960x128xf32, #tpu.memory_space<hbm>>) dst(%arg6 : memref<128x128xf32, #tpu.memory_space<vmem>>)
      %mul3A_43 = arith.constant 128 : i32
      %mul3A_44 = arith.muli %add3A_35, %mul3A_43 : i32
      %multiple_of3A_45 = tpu.assume_multiple %mul3A_44, 128 : i32
      %add3A_46 = arith.addi %mul3A_2, %multiple_of3A_45 : i32
      %dma_start3A_47 = arith.constant 0 : i32
      %dma_start3A_48 = tpu.memref_slice %arg4[%add3A_46, %dma_start3A_47] : memref<655360x128xf32, #tpu.memory_space<hbm>> -> memref<128x128xf32, #tpu.memory_space<hbm>>
      %dma_start3A_49 = arith.constant 0 : i32
      %dma_start3A_50 = tpu.memref_slice %arg4[%add3A_46, %dma_start3A_49] : memref<655360x128xf32, #tpu.memory_space<hbm>> -> memref<128x128xf32, #tpu.memory_space<hbm>>
      tpu.enqueue_dma source(%arg6 : memref<128x128xf32, #tpu.memory_space<vmem>>) target(%dma_start3A_50 : memref<128x128xf32, #tpu.memory_space<hbm>>) target_semaphore(%arg10 : memref<!tpu.dma_semaphore, #tpu.memory_space<semaphore_mem>>)
      %mul3A_51 = arith.constant 2 : i32
      %mul3A_52 = arith.muli %scan3A_31, %mul3A_51 : i32
      %add3A_53 = arith.constant 1 : i32
      %add3A_54 = arith.addi %mul3A_52, %add3A_53 : i32
      %mul3A_55 = arith.constant 128 : i32
      %mul3A_56 = arith.muli %add3A_54, %mul3A_55 : i32
      %multiple_of3A_57 = tpu.assume_multiple %mul3A_56, 128 : i32
      %dma_wait3A_58 = tpu.memref_slice %arg5[%multiple_of3A_57] : memref<20480xi32, #tpu.memory_space<vmem>> -> memref<128xi32, #tpu.memory_space<vmem>>
      %dma_wait3A_59 = arith.constant 0 : i32
      %dma_wait3A_60 = arith.constant 0 : i32
      %dma_wait3A_61 = tpu.memref_slice %arg2[%dma_wait3A_59, %dma_wait3A_60] : memref<960x128xf32, #tpu.memory_space<hbm>> -> memref<960x128xf32, #tpu.memory_space<hbm>>
      tpu.wait_indirect_dma semaphore(%arg9 : memref<!tpu.dma_semaphore, #tpu.memory_space<semaphore_mem>>) src(%dma_wait3A_61 : memref<960x128xf32, #tpu.memory_space<hbm>>) dst(%arg7 : memref<128x128xf32, #tpu.memory_space<vmem>>)
      %mul3A_62 = arith.constant 128 : i32
      %mul3A_63 = arith.muli %add3A_54, %mul3A_62 : i32
      %multiple_of3A_64 = tpu.assume_multiple %mul3A_63, 128 : i32
      %add3A_65 = arith.addi %mul3A_2, %multiple_of3A_64 : i32
      %dma_start3A_66 = arith.constant 0 : i32
      %dma_start3A_67 = tpu.memref_slice %arg4[%add3A_65, %dma_start3A_66] : memref<655360x128xf32, #tpu.memory_space<hbm>> -> memref<128x128xf32, #tpu.memory_space<hbm>>
      %dma_start3A_68 = arith.constant 0 : i32
      %dma_start3A_69 = tpu.memref_slice %arg4[%add3A_65, %dma_start3A_68] : memref<655360x128xf32, #tpu.memory_space<hbm>> -> memref<128x128xf32, #tpu.memory_space<hbm>>
      tpu.enqueue_dma source(%arg7 : memref<128x128xf32, #tpu.memory_space<vmem>>) target(%dma_start3A_69 : memref<128x128xf32, #tpu.memory_space<hbm>>) target_semaphore(%arg11 : memref<!tpu.dma_semaphore, #tpu.memory_space<semaphore_mem>>)
      %mul3A_70 = arith.constant 2 : i32
      %mul3A_71 = arith.muli %scan3A_31, %mul3A_70 : i32
      %add3A_72 = arith.constant 0 : i32
      %add3A_73 = arith.addi %mul3A_71, %add3A_72 : i32
      %lt3A = arith.constant 79 : i32
      %lt3A_74 = arith.cmpi slt, %scan3A_31, %lt3A : i32
      %convert_element_type3A = arith.extui %lt3A_74 : i1 to i32
      %cond3A = arith.constant 0 : i32
      %cond3A_75 = arith.cmpi ne, %convert_element_type3A, %cond3A : i32
      scf.if %cond3A_75 {
        %mul3A_85 = arith.constant 128 : i32
        %mul3A_86 = arith.muli %add3A_73, %mul3A_85 : i32
        %multiple_of3A_87 = tpu.assume_multiple %mul3A_86, 128 : i32
        %add3A_88 = arith.addi %mul3A_2, %multiple_of3A_87 : i32
        %dma_wait3A_89 = arith.constant 0 : i32
        %dma_wait3A_90 = tpu.memref_slice %arg4[%add3A_88, %dma_wait3A_89] : memref<655360x128xf32, #tpu.memory_space<hbm>> -> memref<128x128xf32, #tpu.memory_space<hbm>>
        %dma_wait3A_91 = arith.constant 0 : i32
        %dma_wait3A_92 = tpu.memref_slice %arg4[%add3A_88, %dma_wait3A_91] : memref<655360x128xf32, #tpu.memory_space<hbm>> -> memref<128x128xf32, #tpu.memory_space<hbm>>
        tpu.wait_dma2 semaphore(%arg10 : memref<!tpu.dma_semaphore, #tpu.memory_space<semaphore_mem>>) src(%arg6 : memref<128x128xf32, #tpu.memory_space<vmem>>) dst(%dma_wait3A_92 : memref<128x128xf32, #tpu.memory_space<hbm>>)
        %add3A_93 = arith.constant 2 : i32
        %add3A_94 = arith.addi %add3A_73, %add3A_93 : i32
        %mul3A_95 = arith.constant 128 : i32
        %mul3A_96 = arith.muli %add3A_94, %mul3A_95 : i32
        %multiple_of3A_97 = tpu.assume_multiple %mul3A_96, 128 : i32
        %dma_start3A_98 = tpu.memref_slice %arg5[%multiple_of3A_97] : memref<20480xi32, #tpu.memory_space<vmem>> -> memref<128xi32, #tpu.memory_space<vmem>>
        %dma_start3A_99 = arith.constant 0 : i32
        %dma_start3A_100 = arith.constant 0 : i32
        %dma_start3A_101 = tpu.memref_slice %arg2[%dma_start3A_99, %dma_start3A_100] : memref<960x128xf32, #tpu.memory_space<hbm>> -> memref<960x128xf32, #tpu.memory_space<hbm>>
        tpu.enqueue_indirect_dma source(%dma_start3A_101 : memref<960x128xf32, #tpu.memory_space<hbm>>) target(%arg6 : memref<128x128xf32, #tpu.memory_space<vmem>>) offsets(%dma_start3A_98 : memref<128xi32, #tpu.memory_space<vmem>>) semaphore(%arg8 : memref<!tpu.dma_semaphore, #tpu.memory_space<semaphore_mem>>)
      } else {
      }
      %mul3A_76 = arith.constant 2 : i32
      %mul3A_77 = arith.muli %scan3A_31, %mul3A_76 : i32
      %add3A_78 = arith.constant 1 : i32
      %add3A_79 = arith.addi %mul3A_77, %add3A_78 : i32
      %lt3A_80 = arith.constant 79 : i32
      %lt3A_81 = arith.cmpi slt, %scan3A_31, %lt3A_80 : i32
      %convert_element_type3A_82 = arith.extui %lt3A_81 : i1 to i32
      %cond3A_83 = arith.constant 0 : i32
      %cond3A_84 = arith.cmpi ne, %convert_element_type3A_82, %cond3A_83 : i32
      scf.if %cond3A_84 {
        %mul3A_85 = arith.constant 128 : i32
        %mul3A_86 = arith.muli %add3A_79, %mul3A_85 : i32
        %multiple_of3A_87 = tpu.assume_multiple %mul3A_86, 128 : i32
        %add3A_88 = arith.addi %mul3A_2, %multiple_of3A_87 : i32
        %dma_wait3A_89 = arith.constant 0 : i32
        %dma_wait3A_90 = tpu.memref_slice %arg4[%add3A_88, %dma_wait3A_89] : memref<655360x128xf32, #tpu.memory_space<hbm>> -> memref<128x128xf32, #tpu.memory_space<hbm>>
        %dma_wait3A_91 = arith.constant 0 : i32
        %dma_wait3A_92 = tpu.memref_slice %arg4[%add3A_88, %dma_wait3A_91] : memref<655360x128xf32, #tpu.memory_space<hbm>> -> memref<128x128xf32, #tpu.memory_space<hbm>>
        tpu.wait_dma2 semaphore(%arg11 : memref<!tpu.dma_semaphore, #tpu.memory_space<semaphore_mem>>) src(%arg7 : memref<128x128xf32, #tpu.memory_space<vmem>>) dst(%dma_wait3A_92 : memref<128x128xf32, #tpu.memory_space<hbm>>)
        %add3A_93 = arith.constant 2 : i32
        %add3A_94 = arith.addi %add3A_79, %add3A_93 : i32
        %mul3A_95 = arith.constant 128 : i32
        %mul3A_96 = arith.muli %add3A_94, %mul3A_95 : i32
        %multiple_of3A_97 = tpu.assume_multiple %mul3A_96, 128 : i32
        %dma_start3A_98 = tpu.memref_slice %arg5[%multiple_of3A_97] : memref<20480xi32, #tpu.memory_space<vmem>> -> memref<128xi32, #tpu.memory_space<vmem>>
        %dma_start3A_99 = arith.constant 0 : i32
        %dma_start3A_100 = arith.constant 0 : i32
        %dma_start3A_101 = tpu.memref_slice %arg2[%dma_start3A_99, %dma_start3A_100] : memref<960x128xf32, #tpu.memory_space<hbm>> -> memref<960x128xf32, #tpu.memory_space<hbm>>
        tpu.enqueue_indirect_dma source(%dma_start3A_101 : memref<960x128xf32, #tpu.memory_space<hbm>>) target(%arg7 : memref<128x128xf32, #tpu.memory_space<vmem>>) offsets(%dma_start3A_98 : memref<128xi32, #tpu.memory_space<vmem>>) semaphore(%arg9 : memref<!tpu.dma_semaphore, #tpu.memory_space<semaphore_mem>>)
      } else {
      }
    }
    %scan3A_17 = arith.constant 80 : i32
    %multiple_of3A_18 = arith.constant 20224 : i32
    %multiple_of3A_19 = tpu.assume_multiple %multiple_of3A_18, 128 : i32
    %add3A_20 = arith.addi %mul3A_2, %multiple_of3A_19 : i32
    %dma_wait3A = arith.constant 0 : i32
    %dma_wait3A_21 = tpu.memref_slice %arg4[%add3A_20, %dma_wait3A] : memref<655360x128xf32, #tpu.memory_space<hbm>> -> memref<128x128xf32, #tpu.memory_space<hbm>>
    %dma_wait3A_22 = arith.constant 0 : i32
    %dma_wait3A_23 = tpu.memref_slice %arg4[%add3A_20, %dma_wait3A_22] : memref<655360x128xf32, #tpu.memory_space<hbm>> -> memref<128x128xf32, #tpu.memory_space<hbm>>
    tpu.wait_dma2 semaphore(%arg10 : memref<!tpu.dma_semaphore, #tpu.memory_space<semaphore_mem>>) src(%arg6 : memref<128x128xf32, #tpu.memory_space<vmem>>) dst(%dma_wait3A_23 : memref<128x128xf32, #tpu.memory_space<hbm>>)
    %multiple_of3A_24 = arith.constant 20352 : i32
    %multiple_of3A_25 = tpu.assume_multiple %multiple_of3A_24, 128 : i32
    %add3A_26 = arith.addi %mul3A_2, %multiple_of3A_25 : i32
    %dma_wait3A_27 = arith.constant 0 : i32
    %dma_wait3A_28 = tpu.memref_slice %arg4[%add3A_26, %dma_wait3A_27] : memref<655360x128xf32, #tpu.memory_space<hbm>> -> memref<128x128xf32, #tpu.memory_space<hbm>>
    %dma_wait3A_29 = arith.constant 0 : i32
    %dma_wait3A_30 = tpu.memref_slice %arg4[%add3A_26, %dma_wait3A_29] : memref<655360x128xf32, #tpu.memory_space<hbm>> -> memref<128x128xf32, #tpu.memory_space<hbm>>
    tpu.wait_dma2 semaphore(%arg11 : memref<!tpu.dma_semaphore, #tpu.memory_space<semaphore_mem>>) src(%arg7 : memref<128x128xf32, #tpu.memory_space<vmem>>) dst(%dma_wait3A_30 : memref<128x128xf32, #tpu.memory_space<hbm>>)
    return
  }
}

module attributes {stable_mosaic.version = 14 : i64} {
  func.func @_lut_body(%arg0: memref<48x128xf32, #tpu.memory_space<vmem>>, %arg1: memref<256x128xf32, #tpu.memory_space<vmem>>, %arg2: memref<2x128xf32, #tpu.memory_space<vmem>>, %arg3: memref<960x128xf32, #tpu.memory_space<vmem>>) attributes {dimension_semantics = [], scalar_prefetch = 0 : i64, scratch_operands = 0 : i64, tpu.core_type = #tpu.core_type<tc>} {
    %get3A = arith.constant 0 : index
    %get3A_0 = arith.constant 0 : index
    %get3A_1 = vector.load %arg0[%get3A, %get3A_0] : memref<48x128xf32, #tpu.memory_space<vmem>>, vector<48x128xf32>
    %get3A_2 = arith.constant 0 : index
    %get3A_3 = arith.constant 0 : index
    %get3A_4 = vector.load %arg1[%get3A_2, %get3A_3] : memref<256x128xf32, #tpu.memory_space<vmem>>, vector<256x128xf32>
    %dot_general3A = arith.constant dense<0.000000e+00> : vector<48x256xf32>
    %dot_general3A_5 = tpu.matmul %get3A_1, %get3A_4, %dot_general3A {dimension_numbers = #tpu.dot_dimension_numbers<[1], [1], [0], [0], [0, 0, 1, 0], [], []>, transpose_lhs_hint = false} : vector<48x128xf32>, vector<256x128xf32>, vector<48x256xf32> -> vector<48x256xf32>
    %iota3A = tpu.iota {dimensions = array<i32: 0>} : vector<960x1xi32>
    %iota3A_6 = tpu.iota {dimensions = array<i32: 1>} : vector<960x96xi32>
    %jit3A = arith.constant 2 : i32
    %div3A = vector.broadcast %jit3A : i32 to vector<960x1xi32>
    %div3A_7 = arith.divsi %iota3A, %div3A : vector<960x1xi32>
    %sign3A = arith.constant 0 : i32
    %sign3A_8 = vector.broadcast %sign3A : i32 to vector<960x1xi32>
    %sign3A_9 = arith.cmpi sgt, %iota3A, %sign3A_8 : vector<960x1xi32>
    %sign3A_10 = arith.extui %sign3A_9 : vector<960x1xi1> to vector<960x1xi32>
    %sign3A_11 = arith.constant 0 : i32
    %sign3A_12 = vector.broadcast %sign3A_11 : i32 to vector<960x1xi32>
    %sign3A_13 = arith.cmpi slt, %iota3A, %sign3A_12 : vector<960x1xi32>
    %sign3A_14 = arith.extui %sign3A_13 : vector<960x1xi1> to vector<960x1xi32>
    %sign3A_15 = arith.subi %sign3A_10, %sign3A_14 : vector<960x1xi32>
    %sign3A_16 = arith.constant 0 : i32
    %sign3A_17 = arith.cmpi sgt, %jit3A, %sign3A_16 : i32
    %sign3A_18 = arith.extui %sign3A_17 : i1 to i32
    %sign3A_19 = arith.constant 0 : i32
    %sign3A_20 = arith.cmpi slt, %jit3A, %sign3A_19 : i32
    %sign3A_21 = arith.extui %sign3A_20 : i1 to i32
    %sign3A_22 = arith.subi %sign3A_18, %sign3A_21 : i32
    %ne3A = vector.broadcast %sign3A_22 : i32 to vector<960x1xi32>
    %ne3A_23 = arith.cmpi ne, %sign3A_15, %ne3A : vector<960x1xi32>
    %rem3A = vector.broadcast %jit3A : i32 to vector<960x1xi32>
    %rem3A_24 = arith.remsi %iota3A, %rem3A : vector<960x1xi32>
    %ne3A_25 = arith.constant 0 : i32
    %ne3A_26 = vector.broadcast %ne3A_25 : i32 to vector<960x1xi32>
    %ne3A_27 = arith.cmpi ne, %rem3A_24, %ne3A_26 : vector<960x1xi32>
    %and3A = arith.andi %ne3A_23, %ne3A_27 : vector<960x1xi1>
    %sub3A = arith.constant 1 : i32
    %sub3A_28 = vector.broadcast %sub3A : i32 to vector<960x1xi32>
    %sub3A_29 = arith.subi %div3A_7, %sub3A_28 : vector<960x1xi32>
    %select_n3A = arith.select %and3A, %sub3A_29, %div3A_7 : vector<960x1xi1>, vector<960x1xi32>
    %jit3A_30 = arith.constant 2 : i32
    %eq3A = arith.constant 0 : i32
    %eq3A_31 = arith.cmpi eq, %jit3A_30, %eq3A : i32
    %jit3A_32 = arith.constant 1 : i32
    %select_n3A_33 = arith.select %eq3A_31, %jit3A_32, %jit3A_30 : i32
    %rem3A_34 = vector.broadcast %select_n3A_33 : i32 to vector<960x1xi32>
    %rem3A_35 = arith.remsi %iota3A, %rem3A_34 : vector<960x1xi32>
    %ne3A_36 = arith.constant 0 : i32
    %ne3A_37 = vector.broadcast %ne3A_36 : i32 to vector<960x1xi32>
    %ne3A_38 = arith.cmpi ne, %rem3A_35, %ne3A_37 : vector<960x1xi32>
    %lt3A = arith.constant 0 : i32
    %lt3A_39 = vector.broadcast %lt3A : i32 to vector<960x1xi32>
    %lt3A_40 = arith.cmpi slt, %rem3A_35, %lt3A_39 : vector<960x1xi32>
    %lt3A_41 = arith.constant 0 : i32
    %lt3A_42 = arith.cmpi slt, %select_n3A_33, %lt3A_41 : i32
    %ne3A_43 = vector.broadcast %lt3A_42 : i1 to vector<960x1xi1>
    %ne3A_44 = vector.broadcast %ne3A_43 : vector<960x1xi1> to vector<960x1xi1>
    %ne3A_45 = arith.xori %lt3A_40, %ne3A_44 : vector<960x1xi1>
    %and3A_46 = arith.andi %ne3A_45, %ne3A_38 : vector<960x1xi1>
    %add3A = vector.broadcast %select_n3A_33 : i32 to vector<960x1xi32>
    %add3A_47 = arith.addi %rem3A_35, %add3A : vector<960x1xi32>
    %select_n3A_48 = arith.select %and3A_46, %add3A_47, %rem3A_35 : vector<960x1xi1>, vector<960x1xi32>
    %lt3A_49 = arith.constant 192 : i32
    %lt3A_50 = vector.broadcast %lt3A_49 : i32 to vector<960x1xi32>
    %lt3A_51 = arith.cmpi slt, %select_n3A, %lt3A_50 : vector<960x1xi32>
    %sub3A_52 = arith.constant 192 : i32
    %sub3A_53 = vector.broadcast %sub3A_52 : i32 to vector<960x1xi32>
    %sub3A_54 = arith.subi %select_n3A, %sub3A_53 : vector<960x1xi32>
    %jit3A_55 = arith.constant 24 : i32
    %div3A_56 = vector.broadcast %jit3A_55 : i32 to vector<960x1xi32>
    %div3A_57 = arith.divsi %select_n3A, %div3A_56 : vector<960x1xi32>
    %sign3A_58 = arith.constant 0 : i32
    %sign3A_59 = vector.broadcast %sign3A_58 : i32 to vector<960x1xi32>
    %sign3A_60 = arith.cmpi sgt, %select_n3A, %sign3A_59 : vector<960x1xi32>
    %sign3A_61 = arith.extui %sign3A_60 : vector<960x1xi1> to vector<960x1xi32>
    %sign3A_62 = arith.constant 0 : i32
    %sign3A_63 = vector.broadcast %sign3A_62 : i32 to vector<960x1xi32>
    %sign3A_64 = arith.cmpi slt, %select_n3A, %sign3A_63 : vector<960x1xi32>
    %sign3A_65 = arith.extui %sign3A_64 : vector<960x1xi1> to vector<960x1xi32>
    %sign3A_66 = arith.subi %sign3A_61, %sign3A_65 : vector<960x1xi32>
    %sign3A_67 = arith.constant 0 : i32
    %sign3A_68 = arith.cmpi sgt, %jit3A_55, %sign3A_67 : i32
    %sign3A_69 = arith.extui %sign3A_68 : i1 to i32
    %sign3A_70 = arith.constant 0 : i32
    %sign3A_71 = arith.cmpi slt, %jit3A_55, %sign3A_70 : i32
    %sign3A_72 = arith.extui %sign3A_71 : i1 to i32
    %sign3A_73 = arith.subi %sign3A_69, %sign3A_72 : i32
    %ne3A_74 = vector.broadcast %sign3A_73 : i32 to vector<960x1xi32>
    %ne3A_75 = arith.cmpi ne, %sign3A_66, %ne3A_74 : vector<960x1xi32>
    %rem3A_76 = vector.broadcast %jit3A_55 : i32 to vector<960x1xi32>
    %rem3A_77 = arith.remsi %select_n3A, %rem3A_76 : vector<960x1xi32>
    %ne3A_78 = arith.constant 0 : i32
    %ne3A_79 = vector.broadcast %ne3A_78 : i32 to vector<960x1xi32>
    %ne3A_80 = arith.cmpi ne, %rem3A_77, %ne3A_79 : vector<960x1xi32>
    %and3A_81 = arith.andi %ne3A_75, %ne3A_80 : vector<960x1xi1>
    %sub3A_82 = arith.constant 1 : i32
    %sub3A_83 = vector.broadcast %sub3A_82 : i32 to vector<960x1xi32>
    %sub3A_84 = arith.subi %div3A_57, %sub3A_83 : vector<960x1xi32>
    %select_n3A_85 = arith.select %and3A_81, %sub3A_84, %div3A_57 : vector<960x1xi1>, vector<960x1xi32>
    %jit3A_86 = arith.constant 24 : i32
    %div3A_87 = vector.broadcast %jit3A_86 : i32 to vector<960x1xi32>
    %div3A_88 = arith.divsi %sub3A_54, %div3A_87 : vector<960x1xi32>
    %sign3A_89 = arith.constant 0 : i32
    %sign3A_90 = vector.broadcast %sign3A_89 : i32 to vector<960x1xi32>
    %sign3A_91 = arith.cmpi sgt, %sub3A_54, %sign3A_90 : vector<960x1xi32>
    %sign3A_92 = arith.extui %sign3A_91 : vector<960x1xi1> to vector<960x1xi32>
    %sign3A_93 = arith.constant 0 : i32
    %sign3A_94 = vector.broadcast %sign3A_93 : i32 to vector<960x1xi32>
    %sign3A_95 = arith.cmpi slt, %sub3A_54, %sign3A_94 : vector<960x1xi32>
    %sign3A_96 = arith.extui %sign3A_95 : vector<960x1xi1> to vector<960x1xi32>
    %sign3A_97 = arith.subi %sign3A_92, %sign3A_96 : vector<960x1xi32>
    %sign3A_98 = arith.constant 0 : i32
    %sign3A_99 = arith.cmpi sgt, %jit3A_86, %sign3A_98 : i32
    %sign3A_100 = arith.extui %sign3A_99 : i1 to i32
    %sign3A_101 = arith.constant 0 : i32
    %sign3A_102 = arith.cmpi slt, %jit3A_86, %sign3A_101 : i32
    %sign3A_103 = arith.extui %sign3A_102 : i1 to i32
    %sign3A_104 = arith.subi %sign3A_100, %sign3A_103 : i32
    %ne3A_105 = vector.broadcast %sign3A_104 : i32 to vector<960x1xi32>
    %ne3A_106 = arith.cmpi ne, %sign3A_97, %ne3A_105 : vector<960x1xi32>
    %rem3A_107 = vector.broadcast %jit3A_86 : i32 to vector<960x1xi32>
    %rem3A_108 = arith.remsi %sub3A_54, %rem3A_107 : vector<960x1xi32>
    %ne3A_109 = arith.constant 0 : i32
    %ne3A_110 = vector.broadcast %ne3A_109 : i32 to vector<960x1xi32>
    %ne3A_111 = arith.cmpi ne, %rem3A_108, %ne3A_110 : vector<960x1xi32>
    %and3A_112 = arith.andi %ne3A_106, %ne3A_111 : vector<960x1xi1>
    %sub3A_113 = arith.constant 1 : i32
    %sub3A_114 = vector.broadcast %sub3A_113 : i32 to vector<960x1xi32>
    %sub3A_115 = arith.subi %div3A_88, %sub3A_114 : vector<960x1xi32>
    %select_n3A_116 = arith.select %and3A_112, %sub3A_115, %div3A_88 : vector<960x1xi1>, vector<960x1xi32>
    %add3A_117 = arith.constant 19 : i32
    %add3A_118 = vector.broadcast %add3A_117 : i32 to vector<960x1xi32>
    %add3A_119 = arith.addi %add3A_118, %select_n3A_116 : vector<960x1xi32>
    %select_n3A_120 = arith.select %lt3A_51, %select_n3A_85, %add3A_119 : vector<960x1xi1>, vector<960x1xi32>
    %mul3A = arith.constant 48 : i32
    %mul3A_121 = vector.broadcast %mul3A : i32 to vector<960x1xi32>
    %mul3A_122 = arith.muli %mul3A_121, %select_n3A_48 : vector<960x1xi32>
    %add3A_123 = arith.addi %select_n3A_120, %mul3A_122 : vector<960x1xi32>
    %jit3A_124 = arith.constant 24 : i32
    %eq3A_125 = arith.constant 0 : i32
    %eq3A_126 = arith.cmpi eq, %jit3A_124, %eq3A_125 : i32
    %jit3A_127 = arith.constant 1 : i32
    %select_n3A_128 = arith.select %eq3A_126, %jit3A_127, %jit3A_124 : i32
    %rem3A_129 = vector.broadcast %select_n3A_128 : i32 to vector<960x1xi32>
    %rem3A_130 = arith.remsi %select_n3A, %rem3A_129 : vector<960x1xi32>
    %ne3A_131 = arith.constant 0 : i32
    %ne3A_132 = vector.broadcast %ne3A_131 : i32 to vector<960x1xi32>
    %ne3A_133 = arith.cmpi ne, %rem3A_130, %ne3A_132 : vector<960x1xi32>
    %lt3A_134 = arith.constant 0 : i32
    %lt3A_135 = vector.broadcast %lt3A_134 : i32 to vector<960x1xi32>
    %lt3A_136 = arith.cmpi slt, %rem3A_130, %lt3A_135 : vector<960x1xi32>
    %lt3A_137 = arith.constant 0 : i32
    %lt3A_138 = arith.cmpi slt, %select_n3A_128, %lt3A_137 : i32
    %ne3A_139 = vector.broadcast %lt3A_138 : i1 to vector<960x1xi1>
    %ne3A_140 = vector.broadcast %ne3A_139 : vector<960x1xi1> to vector<960x1xi1>
    %ne3A_141 = arith.xori %lt3A_136, %ne3A_140 : vector<960x1xi1>
    %and3A_142 = arith.andi %ne3A_141, %ne3A_133 : vector<960x1xi1>
    %add3A_143 = vector.broadcast %select_n3A_128 : i32 to vector<960x1xi32>
    %add3A_144 = arith.addi %rem3A_130, %add3A_143 : vector<960x1xi32>
    %select_n3A_145 = arith.select %and3A_142, %add3A_144, %rem3A_130 : vector<960x1xi1>, vector<960x1xi32>
    %jit3A_146 = arith.constant 3 : i32
    %div3A_147 = vector.broadcast %jit3A_146 : i32 to vector<960x1xi32>
    %div3A_148 = arith.divsi %select_n3A_145, %div3A_147 : vector<960x1xi32>
    %sign3A_149 = arith.constant 0 : i32
    %sign3A_150 = vector.broadcast %sign3A_149 : i32 to vector<960x1xi32>
    %sign3A_151 = arith.cmpi sgt, %select_n3A_145, %sign3A_150 : vector<960x1xi32>
    %sign3A_152 = arith.extui %sign3A_151 : vector<960x1xi1> to vector<960x1xi32>
    %sign3A_153 = arith.constant 0 : i32
    %sign3A_154 = vector.broadcast %sign3A_153 : i32 to vector<960x1xi32>
    %sign3A_155 = arith.cmpi slt, %select_n3A_145, %sign3A_154 : vector<960x1xi32>
    %sign3A_156 = arith.extui %sign3A_155 : vector<960x1xi1> to vector<960x1xi32>
    %sign3A_157 = arith.subi %sign3A_152, %sign3A_156 : vector<960x1xi32>
    %sign3A_158 = arith.constant 0 : i32
    %sign3A_159 = arith.cmpi sgt, %jit3A_146, %sign3A_158 : i32
    %sign3A_160 = arith.extui %sign3A_159 : i1 to i32
    %sign3A_161 = arith.constant 0 : i32
    %sign3A_162 = arith.cmpi slt, %jit3A_146, %sign3A_161 : i32
    %sign3A_163 = arith.extui %sign3A_162 : i1 to i32
    %sign3A_164 = arith.subi %sign3A_160, %sign3A_163 : i32
    %ne3A_165 = vector.broadcast %sign3A_164 : i32 to vector<960x1xi32>
    %ne3A_166 = arith.cmpi ne, %sign3A_157, %ne3A_165 : vector<960x1xi32>
    %rem3A_167 = vector.broadcast %jit3A_146 : i32 to vector<960x1xi32>
    %rem3A_168 = arith.remsi %select_n3A_145, %rem3A_167 : vector<960x1xi32>
    %ne3A_169 = arith.constant 0 : i32
    %ne3A_170 = vector.broadcast %ne3A_169 : i32 to vector<960x1xi32>
    %ne3A_171 = arith.cmpi ne, %rem3A_168, %ne3A_170 : vector<960x1xi32>
    %and3A_172 = arith.andi %ne3A_166, %ne3A_171 : vector<960x1xi1>
    %sub3A_173 = arith.constant 1 : i32
    %sub3A_174 = vector.broadcast %sub3A_173 : i32 to vector<960x1xi32>
    %sub3A_175 = arith.subi %div3A_148, %sub3A_174 : vector<960x1xi32>
    %select_n3A_176 = arith.select %and3A_172, %sub3A_175, %div3A_148 : vector<960x1xi1>, vector<960x1xi32>
    %add3A_177 = arith.constant 8 : i32
    %add3A_178 = vector.broadcast %add3A_177 : i32 to vector<960x1xi32>
    %add3A_179 = arith.addi %add3A_178, %select_n3A_176 : vector<960x1xi32>
    %jit3A_180 = arith.constant 24 : i32
    %eq3A_181 = arith.constant 0 : i32
    %eq3A_182 = arith.cmpi eq, %jit3A_180, %eq3A_181 : i32
    %jit3A_183 = arith.constant 1 : i32
    %select_n3A_184 = arith.select %eq3A_182, %jit3A_183, %jit3A_180 : i32
    %rem3A_185 = vector.broadcast %select_n3A_184 : i32 to vector<960x1xi32>
    %rem3A_186 = arith.remsi %sub3A_54, %rem3A_185 : vector<960x1xi32>
    %ne3A_187 = arith.constant 0 : i32
    %ne3A_188 = vector.broadcast %ne3A_187 : i32 to vector<960x1xi32>
    %ne3A_189 = arith.cmpi ne, %rem3A_186, %ne3A_188 : vector<960x1xi32>
    %lt3A_190 = arith.constant 0 : i32
    %lt3A_191 = vector.broadcast %lt3A_190 : i32 to vector<960x1xi32>
    %lt3A_192 = arith.cmpi slt, %rem3A_186, %lt3A_191 : vector<960x1xi32>
    %lt3A_193 = arith.constant 0 : i32
    %lt3A_194 = arith.cmpi slt, %select_n3A_184, %lt3A_193 : i32
    %ne3A_195 = vector.broadcast %lt3A_194 : i1 to vector<960x1xi1>
    %ne3A_196 = vector.broadcast %ne3A_195 : vector<960x1xi1> to vector<960x1xi1>
    %ne3A_197 = arith.xori %lt3A_192, %ne3A_196 : vector<960x1xi1>
    %and3A_198 = arith.andi %ne3A_197, %ne3A_189 : vector<960x1xi1>
    %add3A_199 = vector.broadcast %select_n3A_184 : i32 to vector<960x1xi32>
    %add3A_200 = arith.addi %rem3A_186, %add3A_199 : vector<960x1xi32>
    %select_n3A_201 = arith.select %and3A_198, %add3A_200, %rem3A_186 : vector<960x1xi1>, vector<960x1xi32>
    %jit3A_202 = arith.constant 2 : i32
    %div3A_203 = vector.broadcast %jit3A_202 : i32 to vector<960x1xi32>
    %div3A_204 = arith.divsi %select_n3A_201, %div3A_203 : vector<960x1xi32>
    %sign3A_205 = arith.constant 0 : i32
    %sign3A_206 = vector.broadcast %sign3A_205 : i32 to vector<960x1xi32>
    %sign3A_207 = arith.cmpi sgt, %select_n3A_201, %sign3A_206 : vector<960x1xi32>
    %sign3A_208 = arith.extui %sign3A_207 : vector<960x1xi1> to vector<960x1xi32>
    %sign3A_209 = arith.constant 0 : i32
    %sign3A_210 = vector.broadcast %sign3A_209 : i32 to vector<960x1xi32>
    %sign3A_211 = arith.cmpi slt, %select_n3A_201, %sign3A_210 : vector<960x1xi32>
    %sign3A_212 = arith.extui %sign3A_211 : vector<960x1xi1> to vector<960x1xi32>
    %sign3A_213 = arith.subi %sign3A_208, %sign3A_212 : vector<960x1xi32>
    %sign3A_214 = arith.constant 0 : i32
    %sign3A_215 = arith.cmpi sgt, %jit3A_202, %sign3A_214 : i32
    %sign3A_216 = arith.extui %sign3A_215 : i1 to i32
    %sign3A_217 = arith.constant 0 : i32
    %sign3A_218 = arith.cmpi slt, %jit3A_202, %sign3A_217 : i32
    %sign3A_219 = arith.extui %sign3A_218 : i1 to i32
    %sign3A_220 = arith.subi %sign3A_216, %sign3A_219 : i32
    %ne3A_221 = vector.broadcast %sign3A_220 : i32 to vector<960x1xi32>
    %ne3A_222 = arith.cmpi ne, %sign3A_213, %ne3A_221 : vector<960x1xi32>
    %rem3A_223 = vector.broadcast %jit3A_202 : i32 to vector<960x1xi32>
    %rem3A_224 = arith.remsi %select_n3A_201, %rem3A_223 : vector<960x1xi32>
    %ne3A_225 = arith.constant 0 : i32
    %ne3A_226 = vector.broadcast %ne3A_225 : i32 to vector<960x1xi32>
    %ne3A_227 = arith.cmpi ne, %rem3A_224, %ne3A_226 : vector<960x1xi32>
    %and3A_228 = arith.andi %ne3A_222, %ne3A_227 : vector<960x1xi1>
    %sub3A_229 = arith.constant 1 : i32
    %sub3A_230 = vector.broadcast %sub3A_229 : i32 to vector<960x1xi32>
    %sub3A_231 = arith.subi %div3A_204, %sub3A_230 : vector<960x1xi32>
    %select_n3A_232 = arith.select %and3A_228, %sub3A_231, %div3A_204 : vector<960x1xi1>, vector<960x1xi32>
    %add3A_233 = arith.constant 31 : i32
    %add3A_234 = vector.broadcast %add3A_233 : i32 to vector<960x1xi32>
    %add3A_235 = arith.addi %add3A_234, %select_n3A_232 : vector<960x1xi32>
    %select_n3A_236 = arith.select %lt3A_51, %add3A_179, %add3A_235 : vector<960x1xi1>, vector<960x1xi32>
    %mul3A_237 = arith.constant 48 : i32
    %mul3A_238 = vector.broadcast %mul3A_237 : i32 to vector<960x1xi32>
    %mul3A_239 = arith.muli %mul3A_238, %select_n3A_48 : vector<960x1xi32>
    %add3A_240 = arith.addi %select_n3A_236, %mul3A_239 : vector<960x1xi32>
    %jit3A_241 = arith.constant 3 : i32
    %eq3A_242 = arith.constant 0 : i32
    %eq3A_243 = arith.cmpi eq, %jit3A_241, %eq3A_242 : i32
    %jit3A_244 = arith.constant 1 : i32
    %select_n3A_245 = arith.select %eq3A_243, %jit3A_244, %jit3A_241 : i32
    %rem3A_246 = vector.broadcast %select_n3A_245 : i32 to vector<960x1xi32>
    %rem3A_247 = arith.remsi %select_n3A, %rem3A_246 : vector<960x1xi32>
    %ne3A_248 = arith.constant 0 : i32
    %ne3A_249 = vector.broadcast %ne3A_248 : i32 to vector<960x1xi32>
    %ne3A_250 = arith.cmpi ne, %rem3A_247, %ne3A_249 : vector<960x1xi32>
    %lt3A_251 = arith.constant 0 : i32
    %lt3A_252 = vector.broadcast %lt3A_251 : i32 to vector<960x1xi32>
    %lt3A_253 = arith.cmpi slt, %rem3A_247, %lt3A_252 : vector<960x1xi32>
    %lt3A_254 = arith.constant 0 : i32
    %lt3A_255 = arith.cmpi slt, %select_n3A_245, %lt3A_254 : i32
    %ne3A_256 = vector.broadcast %lt3A_255 : i1 to vector<960x1xi1>
    %ne3A_257 = vector.broadcast %ne3A_256 : vector<960x1xi1> to vector<960x1xi1>
    %ne3A_258 = arith.xori %lt3A_253, %ne3A_257 : vector<960x1xi1>
    %and3A_259 = arith.andi %ne3A_258, %ne3A_250 : vector<960x1xi1>
    %add3A_260 = vector.broadcast %select_n3A_245 : i32 to vector<960x1xi32>
    %add3A_261 = arith.addi %rem3A_247, %add3A_260 : vector<960x1xi32>
    %select_n3A_262 = arith.select %and3A_259, %add3A_261, %rem3A_247 : vector<960x1xi1>, vector<960x1xi32>
    %add3A_263 = arith.constant 16 : i32
    %add3A_264 = vector.broadcast %add3A_263 : i32 to vector<960x1xi32>
    %add3A_265 = arith.addi %add3A_264, %select_n3A_262 : vector<960x1xi32>
    %jit3A_266 = arith.constant 2 : i32
    %eq3A_267 = arith.constant 0 : i32
    %eq3A_268 = arith.cmpi eq, %jit3A_266, %eq3A_267 : i32
    %jit3A_269 = arith.constant 1 : i32
    %select_n3A_270 = arith.select %eq3A_268, %jit3A_269, %jit3A_266 : i32
    %rem3A_271 = vector.broadcast %select_n3A_270 : i32 to vector<960x1xi32>
    %rem3A_272 = arith.remsi %sub3A_54, %rem3A_271 : vector<960x1xi32>
    %ne3A_273 = arith.constant 0 : i32
    %ne3A_274 = vector.broadcast %ne3A_273 : i32 to vector<960x1xi32>
    %ne3A_275 = arith.cmpi ne, %rem3A_272, %ne3A_274 : vector<960x1xi32>
    %lt3A_276 = arith.constant 0 : i32
    %lt3A_277 = vector.broadcast %lt3A_276 : i32 to vector<960x1xi32>
    %lt3A_278 = arith.cmpi slt, %rem3A_272, %lt3A_277 : vector<960x1xi32>
    %lt3A_279 = arith.constant 0 : i32
    %lt3A_280 = arith.cmpi slt, %select_n3A_270, %lt3A_279 : i32
    %ne3A_281 = vector.broadcast %lt3A_280 : i1 to vector<960x1xi1>
    %ne3A_282 = vector.broadcast %ne3A_281 : vector<960x1xi1> to vector<960x1xi1>
    %ne3A_283 = arith.xori %lt3A_278, %ne3A_282 : vector<960x1xi1>
    %and3A_284 = arith.andi %ne3A_283, %ne3A_275 : vector<960x1xi1>
    %add3A_285 = vector.broadcast %select_n3A_270 : i32 to vector<960x1xi32>
    %add3A_286 = arith.addi %rem3A_272, %add3A_285 : vector<960x1xi32>
    %select_n3A_287 = arith.select %and3A_284, %add3A_286, %rem3A_272 : vector<960x1xi1>, vector<960x1xi32>
    %add3A_288 = arith.constant 43 : i32
    %add3A_289 = vector.broadcast %add3A_288 : i32 to vector<960x1xi32>
    %add3A_290 = arith.addi %add3A_289, %select_n3A_287 : vector<960x1xi32>
    %select_n3A_291 = arith.select %lt3A_51, %add3A_265, %add3A_290 : vector<960x1xi1>, vector<960x1xi32>
    %mul3A_292 = arith.constant 48 : i32
    %mul3A_293 = vector.broadcast %mul3A_292 : i32 to vector<960x1xi32>
    %mul3A_294 = arith.muli %mul3A_293, %select_n3A_48 : vector<960x1xi32>
    %add3A_295 = arith.addi %select_n3A_291, %mul3A_294 : vector<960x1xi32>
    %eq3A_296 = vector.broadcast %add3A_123 : vector<960x1xi32> to vector<960x96xi32>
    %eq3A_297 = arith.cmpi eq, %iota3A_6, %eq3A_296 : vector<960x96xi32>
    %eq3A_298 = vector.broadcast %add3A_240 : vector<960x1xi32> to vector<960x96xi32>
    %eq3A_299 = arith.cmpi eq, %iota3A_6, %eq3A_298 : vector<960x96xi32>
    %or3A = arith.ori %eq3A_297, %eq3A_299 : vector<960x96xi1>
    %eq3A_300 = vector.broadcast %add3A_295 : vector<960x1xi32> to vector<960x96xi32>
    %eq3A_301 = arith.cmpi eq, %iota3A_6, %eq3A_300 : vector<960x96xi32>
    %or3A_302 = arith.ori %or3A, %eq3A_301 : vector<960x96xi1>
    %convert_element_type3A = arith.extui %or3A_302 : vector<960x96xi1> to vector<960x96xi32>
    %convert_element_type3A_303 = arith.sitofp %convert_element_type3A : vector<960x96xi32> to vector<960x96xf32>
    %slice3A = vector.extract_strided_slice %dot_general3A_5 {offsets = [0, 0], sizes = [48, 128], strides = [1, 1]} : vector<48x256xf32> to vector<48x128xf32>
    %slice3A_304 = vector.extract_strided_slice %dot_general3A_5 {offsets = [0, 128], sizes = [48, 128], strides = [1, 1]} : vector<48x256xf32> to vector<48x128xf32>
    %concatenate3A = tpu.concatenate %slice3A, %slice3A_304 in 0 : vector<48x128xf32>, vector<48x128xf32> -> vector<96x128xf32>
    %dot_general3A_305 = arith.constant dense<0.000000e+00> : vector<960x128xf32>
    %dot_general3A_306 = tpu.matmul %convert_element_type3A_303, %concatenate3A, %dot_general3A_305 {dimension_numbers = #tpu.dot_dimension_numbers<[1], [0], [0], [1], [0, 0, 1, 1], [], []>, transpose_lhs_hint = false} : vector<960x96xf32>, vector<96x128xf32>, vector<960x128xf32> -> vector<960x128xf32>
    %eq3A_307 = arith.constant 0 : i32
    %eq3A_308 = vector.broadcast %eq3A_307 : i32 to vector<960x1xi32>
    %eq3A_309 = arith.cmpi eq, %select_n3A_48, %eq3A_308 : vector<960x1xi32>
    %get3A_310 = arith.constant 0 : index
    %get3A_311 = arith.constant 0 : index
    %get3A_312 = vector.load %arg2[%get3A_310, %get3A_311] : memref<2x128xf32, #tpu.memory_space<vmem>>, vector<1x128xf32>
    %get3A_313 = arith.constant 1 : index
    %get3A_314 = arith.constant 0 : index
    %get3A_315 = vector.load %arg2[%get3A_313, %get3A_314] : memref<2x128xf32, #tpu.memory_space<vmem>>, vector<1x128xf32>
    %broadcast_in_dim3A = vector.shape_cast %eq3A_309 : vector<960x1xi1> to vector<960x1xi1>
    %broadcast_in_dim3A_316 = vector.broadcast %broadcast_in_dim3A : vector<960x1xi1> to vector<960x128xi1>
    %broadcast_in_dim3A_317 = vector.shape_cast %get3A_312 : vector<1x128xf32> to vector<1x128xf32>
    %broadcast_in_dim3A_318 = vector.broadcast %broadcast_in_dim3A_317 : vector<1x128xf32> to vector<960x128xf32>
    %broadcast_in_dim3A_319 = vector.shape_cast %get3A_315 : vector<1x128xf32> to vector<1x128xf32>
    %broadcast_in_dim3A_320 = vector.broadcast %broadcast_in_dim3A_319 : vector<1x128xf32> to vector<960x128xf32>
    %select_n3A_321 = arith.select %broadcast_in_dim3A_316, %broadcast_in_dim3A_318, %broadcast_in_dim3A_320 : vector<960x128xi1>, vector<960x128xf32>
    %add3A_322 = arith.addf %dot_general3A_306, %select_n3A_321 : vector<960x128xf32>
    %swap3A = arith.constant 0 : index
    %swap3A_323 = arith.constant 0 : index
    %swap3A_324 = vector.load %arg3[%swap3A, %swap3A_323] : memref<960x128xf32, #tpu.memory_space<vmem>>, vector<960x128xf32>
    tpu.vector_store %arg3[%swap3A, %swap3A_323], %add3A_322 {strides = array<i32>} : memref<960x128xf32, #tpu.memory_space<vmem>>, vector<960x128xf32>,
    return
  }
}

</mosaic_0001>

<sc_bundles>
// kernel: kernel.4.cloned.1.call-start
scs
__scs_entry_jumppad:
0x0: {  	(pc) =	sbr.rel $0x88, $3  }
0x1: {  	(tag) =	ssettag $0x0;
	lr =	simm.s32 $0x1  }
0x2: {  	[smem:$0x3F96] =	sst lr;
	_ =	strace $0xD0000000  }
0x3: {  	_ = 	snop  }
0x4: {  	_ = 	snop  }
0x5: {  	_ = 	snop  }
0x6: {  	_ = 	snop  }
0x7: {  	_ = 	snop  }
__scs_overlays_trampoline_lowered:
0x8: {  	[smem:$0x3FA5] =	sst s0  }
0x9: {  	[smem:$0x3FA6] =	sst s1  }
0xa: {  	[smem:$0x3FA7] =	sst s2  }
0xb: {  	[smem:$0x3FA8] =	sst s3  }
0xc: {  	[smem:$0x3FA9] =	sst s4  }
0xd: {  	[smem:$0x3FAA] =	sst s5  }
0xe: {  	[smem:$0x3FAB] =	sst s6  }
0xf: {  	[smem:$0x3FAC] =	sst s7  }
0x10: {  	[smem:$0x3FAD] =	sst s8  }
0x11: {  	[smem:$0x3FAE] =	sst s9;
	s0 =	simm.s32 @!p0 $0x0  }
0x12: {  	s1 =	sld [smem:$0x3F94];
	s0 =	simm.s32 @p0 $0x1  }
0x13: {  	[smem:$0x3FAF] =	sst s0;
	s0 =	simm.s32 @!p1 $0x0  }
0x14: {  	s2 =	sld [smem:$0x3F93];
	s0 =	simm.s32 @p1 $0x1  }
0x15: {  	[smem:$0x3FB0] =	sst s0;
	s0 =	simm.s32 @!p2 $0x0  }
0x16: {  	s3 =	sld [smem:$0x3FDB];
	s0 =	simm.s32 @p2 $0x1  }
0x17: {  	s4 =	simm.s32 $0x1BF5;
	[smem:$0x3FB2] =	sst s0  }
0x18: {  	s0 =	sld [smem:$0x3F95];
	_ =	swait.ge [sflag:s4], $0x0  }
0x19: {  	s7 =	sld [smem:$0x3F96]  }
0x1a: {  	s8 =	sadd.s32 $0xFFFFE003, lr  }
0x1b: {  	s9 =	sadd.s32 $0xFFFFFEF7, lr;
	s5 =	simm.s32 $0xFFFFFFFF;
	p2 =	slt.u32 s8, $0xFFFFF086  }
0x1c: {  	p1 =	slt.u32 s9, $0xF7A;
	s5 =	simm.s32 @!p2 $0x0  }
0x1d: {  	s5 =	simm.s32 @p1 $0x1;
	p0 =	seq.s32 s7, s2  }
0x1e: {  	s7 =	smul.u32 @!p0 $0xF7A, s2;
	p2 =	seq.s32 @!p0 s5, $0x0  }
0x1f: {  	s9 =	smul.u32 $0xF7A, s1;
	s8 =	simm.s32 @!p0 $0x1BF5;
	p2 =	por !p2, p0  }
0x20: {  	[sflag:s8] =	ssyncset.s32 @!p0 $0xFFFFF086;
	s6 =	sadd.s32 @!p0 s3, s7;
	s7 =	simm.s32 @!p0 $0x108  }
0x21: {  	s3 =	sadd.s32 s3, s9;
	s6 =	sadd.s32 @!p0 $0x88, s6;
	s7 =	simm.s32 @p2 $0x1082  }
0x22: {  	[simem:s7], [sflag:s8] =	dma.local @!p0 [hbm:s6], $0xF7A  }
0x23: {  	s9 =	sor.u32 $0xD0000000, s2;
	s6 =	simm.s32 $0x108;
	_ =	swait.ge @!p0 [sflag:s8], $0x0  }
0x24: {  	s3 =	sadd.s32 $0x88, s3;
	s6 =	simm.s32 @!p1 $0x1082;
	[sflag:s4] =	ssyncset.s32 $0xFFFFF086  }
0x25: {  	[simem:s6], [sflag:s4] =	dma.local [hbm:s3], $0xF7A  }
0x26: {  	[smem:$0x3F96] =	sst s1;
	(tag) =	ssettag s2;
	_ =	strace s9  }
0x27: {  	s1 =	sld [smem:$0x3FA6]  }
0x28: {  	s2 =	sld [smem:$0x3FA7]  }
0x29: {  	s4 =	sld [smem:$0x3FA9]  }
0x2a: {  	p0 =	seq.s32 s5, $0x0;
	s5 =	sld [smem:$0x3FAA]  }
0x2b: {  	s6 =	sld [smem:$0x3FAB]  }
0x2c: {  	s7 =	sld [smem:$0x3FAC]  }
0x2d: {  	s3 =	simm.s32 $0x108;
	s8 =	sld [smem:$0x3FAD]  }
0x2e: {  	s3 =	simm.s32 @!p0 $0x1082;
	s9 =	sld [smem:$0x3FAE]  }
0x2f: {  	lr =	sadd.s32 s0, s3;
	s0 =	sld [smem:$0x3FA5]  }
0x30: {  	s3 =	sld [smem:$0x3FA8]  }
0x31: {  	[smem:$0x3FB1] =	sst s10  }
0x32: {  	s10 =	sld [smem:$0x3FAF];
	_ =	sdelay $0x3  }
0x33: {  	p0 =	seq.s32 s10, $0x1;
	s10 =	sld [smem:$0x3FB1];
	_ =	sdelay $0x3  }
0x34: {  	[smem:$0x3FB1] =	sst s10  }
0x35: {  	s10 =	sld [smem:$0x3FB0];
	_ =	sdelay $0x3  }
0x36: {  	p1 =	seq.s32 s10, $0x1;
	s10 =	sld [smem:$0x3FB1];
	_ =	sdelay $0x3  }
0x37: {  	[smem:$0x3FB1] =	sst s10  }
0x38: {  	s10 =	sld [smem:$0x3FB2]  }
0x39: {  	_ = 	snop;
	(pc) =	sbr.ind lr, $3  }
0x3a: {  	_ = 	snop  }
0x3b: {  	_ = 	snop  }
0x3c: {  	p2 =	seq.s32 s10, $0x1;
	s10 =	sld [smem:$0x3FB1]  }
0x3d: {  	_ =	shalt  }
0x3e: {  	_ =	shalt  }
0x3f: {  	_ =	shalt  }
0x40: {  	_ =	shalt  }
0x41: {  	_ =	shalt  }
0x42: {  	_ =	shalt  }
0x43: {  	_ =	shalt  }
0x44: {  	_ =	shalt  }
0x45: {  	_ =	shalt  }
0x46: {  	_ =	shalt  }
0x47: {  	_ =	shalt  }
0x48: {  	_ =	shalt  }
0x49: {  	_ =	shalt  }
0x4a: {  	_ =	shalt  }
0x4b: {  	_ =	shalt  }
0x4c: {  	_ =	shalt  }
0x4d: {  	_ =	shalt  }
0x4e: {  	_ =	shalt  }
0x4f: {  	_ =	shalt  }
0x50: {  	_ =	shalt  }
0x51: {  	_ =	shalt  }
0x52: {  	_ =	shalt  }
0x53: {  	_ =	shalt  }
0x54: {  	_ =	shalt  }
0x55: {  	_ =	shalt  }
0x56: {  	_ =	shalt  }
0x57: {  	_ =	shalt  }
0x58: {  	_ =	shalt  }
0x59: {  	_ =	shalt  }
0x5a: {  	_ =	shalt  }
0x5b: {  	_ =	shalt  }
0x5c: {  	_ =	shalt  }
0x5d: {  	_ =	shalt  }
0x5e: {  	_ =	shalt  }
0x5f: {  	_ =	shalt  }
0x60: {  	_ =	shalt  }
0x61: {  	_ =	shalt  }
0x62: {  	_ =	shalt  }
0x63: {  	_ =	shalt  }
0x64: {  	_ =	shalt  }
0x65: {  	_ =	shalt  }
0x66: {  	_ =	shalt  }
0x67: {  	_ =	shalt  }
0x68: {  	_ =	shalt  }
0x69: {  	_ =	shalt  }
0x6a: {  	_ =	shalt  }
0x6b: {  	_ =	shalt  }
0x6c: {  	_ =	shalt  }
0x6d: {  	_ =	shalt  }
0x6e: {  	_ =	shalt  }
0x6f: {  	_ =	shalt  }
0x70: {  	_ =	shalt  }
0x71: {  	_ =	shalt  }
0x72: {  	_ =	shalt  }
0x73: {  	_ =	shalt  }
0x74: {  	_ =	shalt  }
0x75: {  	_ =	shalt  }
0x76: {  	_ =	shalt  }
0x77: {  	_ =	shalt  }
0x78: {  	_ =	shalt  }
0x79: {  	_ =	shalt  }
0x7a: {  	_ =	shalt  }
0x7b: {  	_ =	shalt  }
0x7c: {  	_ =	shalt  }
0x7d: {  	_ =	shalt  }
0x7e: {  	_ =	shalt  }
0x7f: {  	_ =	shalt  }
0x80: {  	_ =	shalt  }
0x81: {  	_ =	shalt  }
0x82: {  	_ =	shalt  }
0x83: {  	_ =	shalt  }
0x84: {  	_ =	shalt  }
0x85: {  	_ =	shalt  }
0x86: {  	_ =	shalt  }
0x87: {  	_ =	shalt  }
.Lfunc_end0:
.L_simem_size_0:
called_computation.1_lowered:
.L_overlay_start_0:
0x88: {  	s2 =	sld [smem:$0x3FD9]  }
0x89: {  	s3 =	sld [smem:$0x3FFE];
	_ =	sdelay $0x1  }
0x8a: {  	s1 =	srdreg.scid  }
0x8b: {  	s0 =	sand.u32 $0x1, s1  }
0x8c: {  	s17 =	sshll.u32 s0, $0xA;
	s2 =	sadd.s32 s3, s2  }
0x8d: {  	s2 =	sadd.s32 s2, s17  }
0x8e: {  	[smem:$0x3FBD] =	sst s2  }
0x8f: {  	_ = 	snop  }
0x90: {  	s2 =	sld [smem:$0x3FD0];
	(tm) =	ssettm $0x1  }
0x91: {  	s18 =	sld [smem:$0x3FFB];
	_ =	sdelay $0x3  }
0x92: {  	_ =	strace s18  }
0x93: {  	s3 =	sld [smem:$0x3FFC];
	_ =	sdelay $0x3  }
0x94: {  	_ =	strace s3  }
0x95: {  	s3 =	sld [smem:$0x3FFD];
	_ =	sdelay $0x3  }
0x96: {  	_ =	strace s3  }
0x97: {  	_ =	strace $0x8FFFFFFF  }
0x98: {  	s19 =	sld [smem:$0x3FDB];
	_ =	sdelay $0x1  }
0x99: {  	s4 =	simm.s32 $_scs_section_size  }
0x9a: {  	s5 =	simm.s32 $_size__tile_overlayer_lowered;
	s6 =	simm.s32 $_tile_overlayer_lowered  }
0x9b: {  	s22 =	simm.s32 $0x1BFF;
	s21 =	sshll.u32 s6, $0x1;
	s3 =	sadd.s32 s4, s19  }
0x9c: {  	s7 =	simm.s32 $0x0;
	s20 =	sshll.u32 s5, $0x1;
	s5 =	sadd.s32 s21, s3  }
0x9d: {  	[timem:s7], [sflag:s22] =	dma.local [hbm:s5], s20  }
0x9e: {  	_ =	swait.ge [sflag:s22], s20  }
0x9f: {  	s4 =	ssub.s32 $0x0, s20;
	[sflag:s22] =	ssyncset.done $0x0  }
0xa0: {  	[sflag:s22] =	ssyncadd.s32 s4;
	_ =	sdelay $0x1  }
0xa1: {  	s23 =	simm.s32 $0x1B8B  }
0xa2: {  	_ =	swait.ge [sflag:s23], $0x1  }
0xa3: {  	[sflag:s23] =	ssyncset.done $0x0  }
0xa4: {  	s25 =	simm.s32 $0x1B8E;
	s24 =	sld [smem:$0x3FFE];
	[sflag:s23] =	ssyncadd.s32 $0xFFFFFFFF  }
0xa5: {  	s26 =	simm.s32 $execute0_lowered;
	[smem:$0x3FD2] =	sst s25  }
0xa6: {  	s5 =	sshll.u32 s26, $0x1;
	_ =	strace $0x80000046;
	[dreg:$0x1] =	wrdreg $0xFFFFFFFF  }
0xa7: {  	s28 =	simm.s32 $_size_execute0_lowered;
	s3 =	sadd.s32 s3, s5;
	[dreg:$0x0] =	wrdreg $0x0  }
0xa8: {  	s5 =	sshll.u32 s28, $0x1;
	[dreg:$0x2] =	wrdreg s3  }
0xa9: {  	[dreg:$0x3] =	wrdreg s5  }
0xaa: {  	[dreg:$0x4] =	wrdreg $0xC0  }
0xab: {  	_ =	task [dreg:s7], $0x5FFFF  }
0xac: {  	[dreg:$0x1] =	wrdreg $0xFFFFFFFF  }
0xad: {  	[dreg:$0x0] =	wrdreg $0x60  }
0xae: {  	[dreg:$0x2] =	wrdreg s24  }
0xaf: {  	[dreg:$0x3] =	wrdreg s2  }
0xb0: {  	[dreg:$0x4] =	wrdreg $0x9  }
0xb1: {  	_ =	task.clear_ibuf [dreg:s7], $0x5FFFF;
	_ =	strace $0x90000046  }
0xb2: {  	s29 =	simm.s32 $0x9;
	_ =	strace $0x80000048  }
0xb3: {  	_ =	swait.ge [sflag:s29], $0x1  }
0xb4: {  	[sflag:s29] =	ssyncadd.s32 $0xFFFFFFFF  }
0xb5: {  	_ =	strace $0x90000048  }
0xb6: {  	_ =	sfence  }
0xb7: {  	s30 =	sld [smem:$0x0];
	_ =	sdelay $0x2  }
0xb8: {  	s31 =	sshll.u32 s1, $0xD;
	s1 =	sshrl.u32 s1, $0x2  }
0xb9: {  	s3 =	sand.u32 $0x4000, s31;
	s1 =	sadd.s32 s1, s30  }
0xba: {  	s0 =	sor.u32 s3, s0;
	s1 =	sshll.u32 s1, $0x11  }
0xbb: {  	s0 =	sor.u32 s1, s0  }
0xbc: {  	s0 =	sadd.s32 $0x8F2B, s0  }
0xbd: {  	[sflag:s0] =	ssyncadd.remote.s32 $0x1  }
0xbe: {  	_ =	sfence.sel $0xFFFF  }
0xbf: {  	[dreg:$0x0] =	wrdreg $0xFFFFFFFF;
	(pc) =	sbr.abs _section_cstart, $3  }
0xc0: {  	[dreg:$0x1] =	wrdreg $0xFFFFFFFF  }
0xc1: {  	_ =	task.clear_ibuf [dreg:s7], $0x2FFFF;
	_ =	strace $0x9FFFFFFF  }
0xc2: {  	(tm) =	ssettm $0x7FFFFFFF  }
0xc3: {  	_ =	shalt  }
tec
execute0_lowered:
.L_overlay_start_1:
0x0: {  	(tag) =	ssettag $0x1  }
0x1: {  	s1 =	srdreg.scid  }
0x2: {  	s0 =	stileid.u32;
	s4 =	rddreg [dreg:$0x0]  }
0x3: {  	s9 =	rddreg [dreg:$0x1];
	s2 =	simm.s32 $0x0;
	s12 =	smul.u32 $0xA0000, s0  }
0x4: {  	s14 =	simm.s32 $0x1;
	s6 =	sand.u32 $0x1, s1;
	s26 =	smul.u32 $0x500000, s0  }
0x5: {  	s15 =	simm.s32 $0x2;
	s24 =	sshll.u32 s0, $0x1;
	s28 =	smul.u32 $0x280000, s6  }
0x6: {  	s16 =	simm.s32 $0x3;
	s3 =	sor.u32 s6, s24;
	s13 =	smul.u32 $0x50000, s6  }
0x7: {  	s17 =	simm.s32 $0x4;
	s1 =	rddreg [dreg:$0x2];
	s5 =	smul.u32 $0xA00, s3  }
0x8: {  	s18 =	simm.s32 $0x0;
	[smem:$0x7FF] =	sst s2;
	s7 =	smul.u32 $0x280000, s3  }
0x9: {  	_ =	strace $0x80000047;
	s8 =	ssub.s32 $0x2, s6;
	s10 =	smul.u32 $0x50000, s3  }
0xa: {  	s3 =	sadd.s32 $0x15A00, s4;
	s11 =	sshrl.u32 s8, $0x1;
	s29 =	sadd.s32 s12, s9  }
0xb: {  	s12 =	simm.s32 $0x5000;
	s25 =	ssub.s32 s8, s11;
	s8 =	sadd.s32 s28, s26  }
0xc: {  	s30 =	sadd.s32 s13, s29;
	s11 =	simm.s32 $0x80;
	s13 =	simm.s32 $0x9000  }
0xd: {  	s4 =	sadd.s32 s5, s4;
	s7 =	sshrl.u32 s7, $0x3;
	s5 =	smax.u32 s25, $0x1  }
0xe: {  	s10 =	sadd.s32 s10, s9;
	s31 =	sshrl.u32 s8, $0x3;
	s8 =	sadd.s32 $0x800, s30  }
0xf: {  	s4 =	sadd.s32 $0x1A00, s4;
	s7 =	sadd.s32 s9, s7;
	s9 =	sadd.s32 s31, s9  }
0x10: {  	s6 =	sadd.s32 $0x4F000, s7;
	s7 =	sadd.s32 $0x4F800, s10;
	s10 =	simm.s32 $0x5  }
.LBB2_1:
0x11: {  	[tilespmem:s2], [sflag:$0x5] =	stream.linear.gather [hbm4b:s4+s2], $0x5000, $0x38;
	[tilespmem:$0xD000] =	vst v63  }
0x12: {  	_ =	swait.ge [sflag:s10], $0x5000  }
0x13: {  	[sflag:s10] =	ssyncset.done $0x0  }
0x14: {  	[sflag:s10] =	ssyncadd.s32 $0xFFFFB000  }
0x15: {  	[tilespmem:s12], [sflag:$0x1] =	stream.indirect.gather [hbm4b:s3+s11], $0x80, s2, s11, $0xb8;
	[tilespmem:$0xD000] =	vst v63  }
0x16: {  	_ = 	snop  }
0x17: {  	[tilespmem:s13], [sflag:$0x2] =	stream.indirect.gather [hbm4b:s3+s11], $0x80, s11, s11, $0xb8;
	[tilespmem:$0xD000] =	vst v63  }
0x18: {  	_ =	swait.ge [sflag:s14], $0x4000  }
0x19: {  	[sflag:s14] =	ssyncset.done $0x0  }
0x1a: {  	s19 =	sadd.s32 $0x0, s9;
	[sflag:s14] =	ssyncadd.s32 $0xFFFFC000  }
0x1b: {  	[hbm4b:s19+s2] =	stream.linear.scatter [tilespmem:s12], [sflag:$0x3], $0x4000, $0x38;
	[tilespmem:$0xD000] =	vst v63  }
0x1c: {  	_ =	swait.ge [sflag:s15], $0x4000  }
0x1d: {  	[sflag:s15] =	ssyncset.done $0x0  }
0x1e: {  	s30 =	sadd.s32 $0x0, s8;
	[sflag:s15] =	ssyncadd.s32 $0xFFFFC000  }
0x1f: {  	[hbm4b:s30+s2] =	stream.linear.scatter [tilespmem:s13], [sflag:$0x4], $0x4000, $0x38;
	[tilespmem:$0xD000] =	vst v63  }
0x20: {  	_ =	swait.ge [sflag:s16], $0x4000  }
0x21: {  	[sflag:s16] =	ssyncset.done $0x0  }
0x22: {  	s31 =	simm.s32 $0x100;
	[sflag:s16] =	ssyncadd.s32 $0xFFFFC000  }
0x23: {  	[tilespmem:s12], [sflag:$0x1] =	stream.indirect.gather [hbm4b:s3+s11], $0x80, s31, s11, $0xb8;
	[tilespmem:$0xD000] =	vst v63  }
0x24: {  	_ =	swait.ge [sflag:s17], $0x4000  }
0x25: {  	s20 =	simm.s32 $0x1000;
	[sflag:s17] =	ssyncset.done $0x0  }
0x26: {  	s21 =	simm.s32 $0x280;
	s19 =	simm.s32 $0x180;
	[sflag:s17] =	ssyncadd.s32 $0xFFFFC000  }
.LBB2_2:
0x27: {  	[tilespmem:s13], [sflag:$0x2] =	stream.indirect.gather [hbm4b:s3+s11], $0x80, s19, s11, $0xb8;
	[tilespmem:$0xD000] =	vst v63  }
0x28: {  	s22 =	smov.u32 s20;
	s19 =	smov.u32 s21  }
0x29: {  	p0 =	sne.s32 s20, $0x4E000;
	s20 =	sadd.s32 $0x1000, s20;
	_ =	swait.ge [sflag:s14], $0x4000  }
0x2a: {  	[sflag:s14] =	ssyncset.done $0x0  }
0x2b: {  	s23 =	sadd.s32 s22, s9;
	[sflag:s14] =	ssyncadd.s32 $0xFFFFC000  }
0x2c: {  	[hbm4b:s23+s2] =	stream.linear.scatter [tilespmem:s12], [sflag:$0x3], $0x4000, $0x38;
	[tilespmem:$0xD000] =	vst v63  }
0x2d: {  	_ =	swait.ge [sflag:s15], $0x4000  }
0x2e: {  	[sflag:s15] =	ssyncset.done $0x0  }
0x2f: {  	s22 =	sadd.s32 s22, s8;
	[sflag:s15] =	ssyncadd.s32 $0xFFFFC000  }
0x30: {  	[hbm4b:s22+s2] =	stream.linear.scatter [tilespmem:s13], [sflag:$0x4], $0x4000, $0x38;
	[tilespmem:$0xD000] =	vst v63  }
0x31: {  	_ =	swait.ge [sflag:s16], $0x4000  }
0x32: {  	[sflag:s16] =	ssyncset.done $0x0  }
.Ltmp0:
0x33: {  	s22 =	sadd.s32 $0xFFFFFF80, s21;
	[sflag:s16] =	ssyncadd.s32 $0xFFFFC000;
	(pc) =	sbr.rel @p0 .LBB2_2-.Ltmp0, $4  }
0x34: {  	[tilespmem:s12], [sflag:$0x1] =	stream.indirect.gather [hbm4b:s3+s11], $0x80, s22, s11, $0xb8;
	[tilespmem:$0xD000] =	vst v63  }
0x35: {  	_ =	swait.ge [sflag:s17], $0x4000  }
0x36: {  	[sflag:s17] =	ssyncset.done $0x0  }
0x37: {  	s21 =	sadd.s32 $0x100, s21;
	[sflag:s17] =	ssyncadd.s32 $0xFFFFC000  }
0x38: {  	[tilespmem:s13], [sflag:$0x2] =	stream.indirect.gather [hbm4b:s3+s11], $0x80, s19, s11, $0xb8;
	[tilespmem:$0xD000] =	vst v63  }
0x39: {  	_ =	swait.ge [sflag:s14], $0x4000  }
0x3a: {  	[sflag:s14] =	ssyncset.done $0x0  }
0x3b: {  	[sflag:s14] =	ssyncadd.s32 $0xFFFFC000  }
0x3c: {  	[hbm4b:s6+s2] =	stream.linear.scatter [tilespmem:s12], [sflag:$0x3], $0x4000, $0x38;
	[tilespmem:$0xD000] =	vst v63  }
0x3d: {  	_ =	swait.ge [sflag:s15], $0x4000  }
0x3e: {  	[sflag:s15] =	ssyncset.done $0x0  }
0x3f: {  	s18 =	sadd.s32 $0x1, s18;
	[sflag:s15] =	ssyncadd.s32 $0xFFFFC000  }
0x40: {  	[hbm4b:s7+s2] =	stream.linear.scatter [tilespmem:s13], [sflag:$0x4], $0x4000, $0x38;
	[tilespmem:$0xD000] =	vst v63  }
0x41: {  	p0 =	sne.s32 s18, s5;
	_ =	swait.ge [sflag:s16], $0x4000  }
.Ltmp1:
0x42: {  	[sflag:s16] =	ssyncset.done $0x0;
	(pc) =	sbr.rel @p0 .LBB2_1-.Ltmp1, $4  }
0x43: {  	[sflag:s16] =	ssyncadd.s32 $0xFFFFC000  }
0x44: {  	_ =	swait.ge [sflag:s17], $0x4000  }
0x45: {  	[sflag:s17] =	ssyncset.done $0x0  }
0x46: {  	[sflag:s17] =	ssyncadd.s32 $0xFFFFC000  }
0x47: {  	_ =	sfence.sel $0x180000  }
0x48: {  	[bflag:$0x0] =	sbarrier.arrive $0xFFFF  }
0x49: {  	p0 =	sne.s32 s0, $0x0;
	_ =	strace $0x90000047  }
0x4a: {  	s0 =	sadd.s32 @!p0 $0x100000, s1;
	[bflag:$0x2] =	sbarrier.arrive $0xFFFF  }
0x4b: {  	[sflag:s0] =	ssyncadd.tile.s32 @!p0 $0x1;
	_ =	shalt  }
.Lfunc_end2:
_tile_overlayer_lowered:
.L_overlay_start_2:
0x4c: {  	(tag) =	ssettag $0x2  }
0x4d: {  	s0 =	rddreg [dreg:$0x0];
	s2 =	stileid.u32  }
0x4e: {  	s1 =	rddreg [dreg:$0x1];
	p0 =	sne.s32 s2, $0x0  }
0x4f: {  	s3 =	rddreg [dreg:$0x2];
	[bflag:$0x3] =	sbarrier.arrive $0xFFFF;
	s2 =	simm.s32 @!p0 $0x1C05  }
0x50: {  	[timem:s3], [sflag:s2] =	dma.local @!p0 [hbm:s0], s1  }
0x51: {  	s0 =	simm.s32 @!p0 $0x5  }
0x52: {  	_ =	swait.ge @!p0 [sflag:s0], s1  }
0x53: {  	s1 =	ssub.s32 @!p0 $0x0, s1;
	[sflag:s0] =	ssyncset.done @!p0 $0x0  }
0x54: {  	[sflag:s0] =	ssyncadd.s32 @!p0 s1  }
0x55: {  	[bflag:$0x3] =	sbarrier.arrive $0xFFFF  }
0x56: {  	_ =	shalt  }

// kernel: sparse-core-data-format-call.cloned.1.call-start
scs
called_computation_lowered:
.L_overlay_start_0:
0x0: {  	s2 =	sld [smem:$0x3FD9]  }
0x1: {  	s3 =	sld [smem:$0x3FFE];
	_ =	sdelay $0x1  }
0x2: {  	s1 =	srdreg.scid  }
0x3: {  	s0 =	sand.u32 $0x1, s1  }
0x4: {  	s18 =	sshll.u32 s0, $0xA;
	s2 =	sadd.s32 s3, s2  }
0x5: {  	s2 =	sadd.s32 s2, s18  }
0x6: {  	[smem:$0x3FBD] =	sst s2  }
0x7: {  	_ = 	snop  }
0x8: {  	s2 =	sld [smem:$0x3FD0];
	(tm) =	ssettm $0x1  }
0x9: {  	s19 =	sld [smem:$0x3FFB];
	_ =	sdelay $0x3  }
0xa: {  	_ =	strace s19  }
0xb: {  	s3 =	sld [smem:$0x3FFC];
	_ =	sdelay $0x3  }
0xc: {  	_ =	strace s3  }
0xd: {  	s3 =	sld [smem:$0x3FFD];
	_ =	sdelay $0x3  }
0xe: {  	_ =	strace s3  }
0xf: {  	_ =	strace $0x8FFFFFFF  }
0x10: {  	s20 =	sld [smem:$0x3FDB];
	_ =	sdelay $0x1  }
0x11: {  	s4 =	simm.s32 $_scs_section_size  }
0x12: {  	s5 =	simm.s32 $_size__tile_overlayer_lowered;
	s6 =	simm.s32 $_tile_overlayer_lowered  }
0x13: {  	s23 =	simm.s32 $0x1BFF;
	s22 =	sshll.u32 s6, $0x1;
	s3 =	sadd.s32 s4, s20  }
0x14: {  	s7 =	simm.s32 $0x0;
	s21 =	sshll.u32 s5, $0x1;
	s5 =	sadd.s32 s22, s3  }
0x15: {  	[timem:s7], [sflag:s23] =	dma.local [hbm:s5], s21  }
0x16: {  	_ =	swait.ge [sflag:s23], s21  }
0x17: {  	s4 =	ssub.s32 $0x0, s21;
	[sflag:s23] =	ssyncset.done $0x0  }
0x18: {  	[sflag:s23] =	ssyncadd.s32 s4;
	_ =	sdelay $0x1  }
0x19: {  	s24 =	simm.s32 $0x1B8B  }
0x1a: {  	_ =	swait.ge [sflag:s24], $0x1  }
0x1b: {  	[sflag:s24] =	ssyncset.done $0x0  }
0x1c: {  	s26 =	simm.s32 $0x1B8E;
	s25 =	sld [smem:$0x3FFE];
	[sflag:s24] =	ssyncadd.s32 $0xFFFFFFFF  }
0x1d: {  	s27 =	simm.s32 $execute0_lowered;
	[smem:$0x3FD2] =	sst s26  }
0x1e: {  	s5 =	sshll.u32 s27, $0x1;
	_ =	strace $0x80000049;
	[dreg:$0x1] =	wrdreg $0xFFFFFFFF  }
0x1f: {  	s28 =	simm.s32 $_size_execute0_lowered;
	s3 =	sadd.s32 s3, s5;
	[dreg:$0x0] =	wrdreg $0x0  }
0x20: {  	s5 =	sshll.u32 s28, $0x1;
	[dreg:$0x2] =	wrdreg s3  }
0x21: {  	[dreg:$0x3] =	wrdreg s5  }
0x22: {  	[dreg:$0x4] =	wrdreg $0xC0  }
0x23: {  	_ =	task [dreg:s7], $0x5FFFF  }
0x24: {  	[dreg:$0x1] =	wrdreg $0xFFFFFFFF  }
0x25: {  	[dreg:$0x0] =	wrdreg $0x60  }
0x26: {  	[dreg:$0x2] =	wrdreg s25  }
0x27: {  	[dreg:$0x3] =	wrdreg s2  }
0x28: {  	[dreg:$0x4] =	wrdreg $0x9  }
0x29: {  	_ =	task.clear_ibuf [dreg:s7], $0x5FFFF;
	_ =	strace $0x90000049  }
0x2a: {  	s29 =	simm.s32 $0x9;
	_ =	strace $0x8000004B  }
0x2b: {  	_ =	swait.ge [sflag:s29], $0x1  }
0x2c: {  	[sflag:s29] =	ssyncadd.s32 $0xFFFFFFFF  }
0x2d: {  	_ =	strace $0x9000004B  }
0x2e: {  	_ =	sfence  }
0x2f: {  	s30 =	sld [smem:$0x0];
	_ =	sdelay $0x2  }
0x30: {  	s31 =	sshll.u32 s1, $0xD;
	s1 =	sshrl.u32 s1, $0x2  }
0x31: {  	s3 =	sand.u32 $0x4000, s31;
	s1 =	sadd.s32 s1, s30  }
0x32: {  	s0 =	sor.u32 s3, s0;
	s1 =	sshll.u32 s1, $0x11  }
0x33: {  	s0 =	sor.u32 s1, s0  }
0x34: {  	s0 =	sadd.s32 $0x8F2B, s0  }
0x35: {  	[sflag:s0] =	ssyncadd.remote.s32 $0x1  }
0x36: {  	_ =	sfence.sel $0xFFFF  }
0x37: {  	[dreg:$0x0] =	wrdreg $0xFFFFFFFF;
	(pc) =	sbr.abs _section_cstart, $3  }
0x38: {  	[dreg:$0x1] =	wrdreg $0xFFFFFFFF  }
0x39: {  	_ =	task.clear_ibuf [dreg:s7], $0x2FFFF;
	_ =	strace $0x9FFFFFFF  }
0x3a: {  	(tm) =	ssettm $0x7FFFFFFF  }
0x3b: {  	_ =	shalt  }
tec
execute0_lowered:
.L_overlay_start_1:
0x0: {  	(tag) =	ssettag $0x1  }
0x1: {  	s0 =	srdreg.scid  }
0x2: {  	s1 =	sshll.u32 s0, $0x4  }
0x3: {  	s6 =	rddreg [dreg:$0x0];
	s0 =	stileid.u32;
	s1 =	sand.u32 $0x10, s1  }
0x4: {  	s3 =	rddreg [dreg:$0x1];
	s1 =	sor.u32 s0, s1  }
0x5: {  	s5 =	simm.s32 $0x1;
	s31 =	simm.s32 $0x2;
	s2 =	sshll.u32 s1, $0x7  }
0x6: {  	s14 =	simm.s32 $0x0;
	s8 =	simm.s32 $0x800;
	s4 =	ssub.s32 $0x4000, s2  }
0x7: {  	s9 =	simm.s32 $0x0;
	s15 =	simm.s32 $0x0;
	s30 =	sand.u32 $0xF80, s4  }
0x8: {  	s16 =	simm.s32 $0x0;
	s10 =	simm.s32 $0x0;
	p0 =	sne.s32 s30, $0x0  }
.Ltmp0:
0x9: {  	s7 =	sshrl.u32 s4, $0xC;
	s5 =	simm.s32 @!p0 $0x0;
	(pc) =	sbr.rel .LBB1_1-.Ltmp0, $4  }
0xa: {  	s11 =	simm.s32 $0x0;
	s1 =	rddreg [dreg:$0x2];
	s5 =	sadd.s32 s5, s7  }
0xb: {  	_ =	strace $0x8000004A;
	s4 =	simm.s32 $0x1;
	s5 =	smul.u32 $0x28, s5  }
0xc: {  	s13 =	simm.s32 $0x0;
	s6 =	sadd.s32 $0x1A00, s6;
	[sflag:s4] =	ssyncpa.u1 $0x0  }
0xd: {  	s12 =	smov.u32 s2;
	[sflag:s31] =	ssyncpa.u1 $0x0;
	s7 =	sor.u32 $0x1, s5  }
.LBB1_4:
0xe: {  	_ =	sdelay $0x3  }
0xf: {  	[tilespmem:v0+s19+$0xFFFFFFD0 ss:$0x1] =	vst.idx.msk $0xffff, v6  }
0x10: {  	v56 =	vld.idx.msk [tilespmem:v1+s18+$0x0 ss:$0x1], $0xffff;
	[tilespmem:v0+s19+$0xFFFFFFE0 ss:$0x1] =	vst.idx.msk $0xffff, v4  }
0x11: {  	v57 =	vld.idx.msk [tilespmem:v1+s18+$0xFFFFFF90 ss:$0x1], $0xffff;
	[tilespmem:v0+s19+$0xFFFFFFF0 ss:$0x1] =	vst.idx.msk $0xffff, v2  }
0x12: {  	v58 =	vld.idx.msk [tilespmem:v1+s18+$0xFFFFFFA0 ss:$0x1], $0xffff;
	[tilespmem:v0+s19+$0x0 ss:$0x1] =	vst.idx.msk $0xffff, v3  }
0x13: {  	v59 =	vld.idx.msk [tilespmem:v1+s18+$0xFFFFFFB0 ss:$0x1], $0xffff;
	[tilespmem:v0+s19+$0x10 ss:$0x1] =	vst.idx.msk $0xffff, v5  }
0x14: {  	v60 =	vld.idx.msk [tilespmem:v1+s18+$0xFFFFFFC0 ss:$0x1], $0xffff;
	[tilespmem:v0+s19+$0x20 ss:$0x1] =	vst.idx.msk $0xffff, v7  }
0x15: {  	v61 =	vld.idx.msk [tilespmem:v1+s18+$0xFFFFFFD0 ss:$0x1], $0xffff;
	s27 =	sshll.u32 s16, $0x8;
	[tilespmem:v0+s18+$0x30 ss:$0x1] =	vst.idx.msk $0xffff, v56  }
0x16: {  	s20 =	sshll.u32 s14, $0x3;
	v62 =	vld.idx.msk [tilespmem:v1+s18+$0xFFFFFFE0 ss:$0x1], $0xffff;
	s30 =	sand.u32 $0x78, s14;
	s15 =	sshll.u32 s15, $0x13;
	[tilespmem:v0+s18+$0xFFFFFFC0 ss:$0x1] =	vst.idx.msk $0xffff, v57  }
0x17: {  	s28 =	sshll.u32 s16, $0x7;
	v63 =	vld.idx.msk [tilespmem:v1+s18+$0xFFFFFFF0 ss:$0x1], $0xffff;
	s19 =	sand.u32 $0x3FF800, s27;
	s20 =	sand.u32 $0x3FFC00, s20;
	[tilespmem:v0+s18+$0xFFFFFFD0 ss:$0x1] =	vst.idx.msk $0xffff, v58  }
0x18: {  	s29 =	sand.u32 $0x300, s28;
	s16 =	sand.u32 $0x80, s28;
	s19 =	sadd.s32 s19, s20;
	[tilespmem:v0+s18+$0xFFFFFFE0 ss:$0x1] =	vst.idx.msk $0xffff, v59  }
0x19: {  	s31 =	sand.u32 $0x7, s14;
	s16 =	sor.u32 s16, s30;
	s19 =	sor.u32 s29, s19;
	[tilespmem:v0+s18+$0xFFFFFFF0 ss:$0x1] =	vst.idx.msk $0xffff, v60  }
0x1a: {  	s15 =	sadd.s32 s3, s15;
	s16 =	sshrl.u32 s16, $0x3;
	s19 =	sshrl.u32 s19, $0x3;
	[tilespmem:v0+s18+$0x0 ss:$0x1] =	vst.idx.msk $0xffff, v61  }
0x1b: {  	s14 =	sshll.u32 s31, $0x12;
	s15 =	sadd.s32 s16, s15;
	[tilespmem:v0+s18+$0x10 ss:$0x1] =	vst.idx.msk $0xffff, v62;
	s19 =	sand.u32 $0x7FFE0, s19  }
0x1c: {  	s14 =	sor.u32 $0x400, s14;
	[tilespmem:v0+s18+$0x20 ss:$0x1] =	vst.idx.msk $0xffff, v63;
	s15 =	sadd.s32 s19, s15  }
0x1d: {  	[hbm4b:s15+s14] =	stream.strided.scatter [tilespmem:s17], [sflag:$0x2], $0x4000, s8, s14, $0x38;
	[tilespmem:$0x10000] =	vst v63  }
.LBB1_5:
0x1e: {  	s17 =	sadd.s32 $0x80, s10  }
0x1f: {  	s14 =	simm.s32 $0x1;
	p1 =	sgt.s32 s17, $0xFF  }
0x20: {  	s14 =	simm.s32 @!p1 $0x0  }
0x21: {  	s18 =	sadd.s32 s14, s11  }
0x22: {  	s20 =	smov.u32 s12;
	s14 =	sadd.s32 $0x1000, s12;
	p2 =	sgt.s32 s18, $0x13  }
0x23: {  	s20 =	smov.u32 @p2 s14  }
0x24: {  	p0 =	slt.u32 s13, $0x2;
	s17 =	simm.s32 @p1 $0x0;
	p1 =	sgt.s32 s20, $0x3FFF  }
0x25: {  	s19 =	simm.s32 @!p0 $0x2;
	s20 =	smov.u32 @p1 s2;
	p1 =	sne.s32 s13, s7  }
.Ltmp1:
0x26: {  	_ =	swait.ge @!p0 [sflag:s19], $0x4000;
	(pc) =	sbr.rel @!p1 .LBB1_6-.Ltmp1, $4  }
0x27: {  	s15 =	smov.u32 s11;
	[sflag:s19] =	ssyncset.done @!p0 $0x0  }
0x28: {  	s16 =	smov.u32 s12;
	s9 =	sadd.s32 $0x4000, s9;
	[sflag:s19] =	ssyncadd.s32 @!p0 $0xFFFFC000  }
0x29: {  	s18 =	simm.s32 @p2 $0x0;
	s14 =	smov.u32 s10;
	s10 =	smov.u32 s17  }
0x2a: {  	s11 =	smov.u32 s18;
	s13 =	sadd.s32 $0x1, s13;
	s12 =	smov.u32 s20  }
.LBB1_1:
0x2b: {  	p0 =	sge.u32 s13, s5  }
0x2c: {  	s17 =	sshll.u32 @!p0 s11, $0x8;
	s18 =	sshll.u32 @!p0 s10, $0x3  }
0x2d: {  	s19 =	sshll.u32 @!p0 s11, $0x7;
	s17 =	sand.u32 @!p0 $0xFFFFF800, s17;
	s18 =	sand.u32 @!p0 $0xFFFFFC00, s18  }
0x2e: {  	s17 =	sadd.s32 @!p0 s17, s18;
	s18 =	sand.u32 @!p0 $0x300, s19  }
0x2f: {  	s17 =	sor.u32 @!p0 s18, s17  }
0x30: {  	s17 =	sshrl.u32 @!p0 s17, $0x8  }
0x31: {  	s31 =	sadd.s32 $0xFFFFFFFF, s13;
	s18 =	smulhi.u32 @!p0 $0xAAAAAAB, s17  }
0x32: {  	s20 =	sxor.u32 @!p0 $0xFFFFFFFF, s13;
	s21 =	sand.u32 @!p0 $0x78, s10;
	s22 =	smul.u32 @!p0 $0x300, s12  }
0x33: {  	s20 =	sshll.u32 @!p0 s20, $0xE;
	s19 =	sand.u32 @!p0 $0x80, s19;
	s18 =	smul.u32 @!p0 $0x18, s18  }
0x34: {  	s20 =	sand.u32 @!p0 $0x4000, s20;
	s19 =	sor.u32 @!p0 s21, s19;
	s21 =	sand.u32 @!p0 $0x7, s10  }
0x35: {  	s17 =	ssub.s32 @!p0 s17, s18;
	s18 =	sshrl.u32 @!p0 s19, $0x3;
	s19 =	sadd.s32 @!p0 s6, s22  }
0x36: {  	s17 =	sshll.u32 @!p0 s17, $0x5;
	s18 =	sadd.s32 @!p0 s18, s19;
	s19 =	sshll.u32 @!p0 s21, $0x12  }
0x37: {  	s17 =	sadd.s32 @!p0 s17, s18;
	s18 =	sor.u32 @!p0 $0x80, s19;
	s19 =	simm.s32 @!p0 $0x1800  }
0x38: {  	[tilespmem:s20], [sflag:$0x1] =	stream.strided.gather @!p0 [hbm4b:s17+s18], $0x4000, s19, s18, $0x38;
	[tilespmem:$0x10000] =	vst v63  }
0x39: {  	p0 =	sge.u32 s31, s5  }
.Ltmp2:
0x3a: {  	_ = 	snop;
	(pc) =	sbr.rel @p0 .LBB1_5-.Ltmp2, $1  }
0x3b: {  	_ =	sdelay $0x3  }
0x3c: {  	s17 =	sand.u32 $0x4000, s9  }
0x3d: {  	s18 =	sor.u32 $0x70, s17  }
0x3e: {  	v1 =	vmov s18;
	_ =	sdelay $0x1  }
0x3f: {  	_ =	swait.ge [sflag:s4], $0x4000  }
0x40: {  	[sflag:s4] =	ssyncset.done $0x0  }
0x41: {  	s19 =	simm.s32 $0x0;
	[sflag:s4] =	ssyncadd.s32 $0xFFFFC000  }
0x42: {  	s17 =	sor.u32 $0x8040, s17;
	v7 =	vld.idx.msk [tilespmem:v1+s19+$0x0 ss:$0x1], $0xffff  }
0x43: {  	v0 =	vmov s17;
	v8 =	vld.idx.msk [tilespmem:v1+s19+$0xFFFFFF90 ss:$0x1], $0xffff  }
0x44: {  	v6 =	vld.idx.msk [tilespmem:v1+s19+$0xFFFFFFA0 ss:$0x1], $0xffff  }
0x45: {  	v4 =	vld.idx.msk [tilespmem:v1+s19+$0xFFFFFFB0 ss:$0x1], $0xffff  }
0x46: {  	v2 =	vld.idx.msk [tilespmem:v1+s19+$0xFFFFFFC0 ss:$0x1], $0xffff  }
0x47: {  	s31 =	sshll.u32 s13, $0xE;
	v3 =	vld.idx.msk [tilespmem:v1+s19+$0xFFFFFFD0 ss:$0x1], $0xffff  }
0x48: {  	s17 =	sand.u32 $0x4000, s31;
	v5 =	vld.idx.msk [tilespmem:v1+s19+$0xFFFFFFE0 ss:$0x1], $0xffff;
	[tilespmem:v0+s19+$0x30 ss:$0x1] =	vst.idx.msk $0xffff, v7  }
0x49: {  	s20 =	simm.s32 $0x400;
	s18 =	simm.s32 $0x80;
	s17 =	sor.u32 $0x8000, s17;
	[tilespmem:v0+s19+$0xFFFFFFC0 ss:$0x1] =	vst.idx.msk $0xffff, v8;
	v7 =	vld.idx.msk [tilespmem:v1+s19+$0xFFFFFFF0 ss:$0x1], $0xffff  }
.LBB1_3:
0x4a: {  	p0 =	sne.s32 s20, $0xFE00;
	v8 =	vld.idx.msk [tilespmem:v1+s18+$0x0 ss:$0x1], $0xffff;
	[tilespmem:v0+s19+$0xFFFFFFD0 ss:$0x1] =	vst.idx.msk $0xffff, v6  }
0x4b: {  	v9 =	vld.idx.msk [tilespmem:v1+s18+$0xFFFFFF90 ss:$0x1], $0xffff;
	[tilespmem:v0+s19+$0xFFFFFFE0 ss:$0x1] =	vst.idx.msk $0xffff, v4  }
0x4c: {  	v6 =	vld.idx.msk [tilespmem:v1+s18+$0xFFFFFFA0 ss:$0x1], $0xffff;
	[tilespmem:v0+s19+$0xFFFFFFF0 ss:$0x1] =	vst.idx.msk $0xffff, v2  }
.Ltmp3:
0x4d: {  	v4 =	vld.idx.msk [tilespmem:v1+s18+$0xFFFFFFB0 ss:$0x1], $0xffff;
	[tilespmem:v0+s19+$0x0 ss:$0x1] =	vst.idx.msk $0xffff, v3;
	(pc) =	sbr.rel @p0 .LBB1_3-.Ltmp3, $4  }
0x4e: {  	v2 =	vld.idx.msk [tilespmem:v1+s18+$0xFFFFFFC0 ss:$0x1], $0xffff;
	[tilespmem:v0+s19+$0x10 ss:$0x1] =	vst.idx.msk $0xffff, v5  }
0x4f: {  	v3 =	vld.idx.msk [tilespmem:v1+s18+$0xFFFFFFD0 ss:$0x1], $0xffff;
	[tilespmem:v0+s19+$0x20 ss:$0x1] =	vst.idx.msk $0xffff, v7;
	s19 =	smov.u32 s18  }
0x50: {  	v5 =	vld.idx.msk [tilespmem:v1+s19+$0xFFFFFFE0 ss:$0x1], $0xffff;
	[tilespmem:v0+s19+$0x30 ss:$0x1] =	vst.idx.msk $0xffff, v8  }
0x51: {  	s18 =	sshra.s32 s20, $0x2;
	s20 =	sadd.s32 $0x200, s20;
	[tilespmem:v0+s19+$0xFFFFFFC0 ss:$0x1] =	vst.idx.msk $0xffff, v9;
	v7 =	vld.idx.msk [tilespmem:v1+s19+$0xFFFFFFF0 ss:$0x1], $0xffff  }
.Ltmp4:
0x52: {  	_ = 	snop;
	(pc) =	sbr.rel .LBB1_4-.Ltmp4, $1  }
0x53: {  	_ =	sdelay $0x3  }
.LBB1_6:
0x54: {  	_ =	sfence.sel $0x180000  }
0x55: {  	s2 =	simm.s32 $0x1;
	[bflag:$0x0] =	sbarrier.arrive $0xFFFF  }
0x56: {  	s31 =	simm.s32 $0x2;
	[sflag:s2] =	ssyncpa.u1 $0x1  }
0x57: {  	[sflag:s31] =	ssyncpa.u1 $0x1  }
0x58: {  	p0 =	sne.s32 s0, $0x0;
	_ =	strace $0x9000004A  }
0x59: {  	s0 =	sadd.s32 @!p0 $0x100000, s1;
	[bflag:$0x2] =	sbarrier.arrive $0xFFFF  }
0x5a: {  	[sflag:s0] =	ssyncadd.tile.s32 @!p0 $0x1;
	_ =	shalt  }
.Lfunc_end1:
_tile_overlayer_lowered:
.L_overlay_start_2:
0x5b: {  	(tag) =	ssettag $0x2  }
0x5c: {  	s0 =	rddreg [dreg:$0x0];
	s2 =	stileid.u32  }
0x5d: {  	s1 =	rddreg [dreg:$0x1];
	p0 =	sne.s32 s2, $0x0  }
0x5e: {  	s3 =	rddreg [dreg:$0x2];
	[bflag:$0x3] =	sbarrier.arrive $0xFFFF;
	s2 =	simm.s32 @!p0 $0x1C01  }
0x5f: {  	[timem:s3], [sflag:s2] =	dma.local @!p0 [hbm:s0], s1  }
0x60: {  	s0 =	simm.s32 @!p0 $0x1  }
0x61: {  	_ =	swait.ge @!p0 [sflag:s0], s1  }
0x62: {  	s1 =	ssub.s32 @!p0 $0x0, s1;
	[sflag:s0] =	ssyncset.done @!p0 $0x0  }
0x63: {  	[sflag:s0] =	ssyncadd.s32 @!p0 s1  }
0x64: {  	[bflag:$0x3] =	sbarrier.arrive $0xFFFF  }
0x65: {  	_ =	shalt  }

</sc_bundles>
